<compile_context>
chip_gen: v7x
topology: tpu7x:2x2x1
jax: 0.10.2.dev20260603
libtpu: 0.0.44.dev20260713+nightly
codegen_flags: <defaults>
</compile_context>

<pallas_src>
import functools

import jax
import jax.numpy as jnp
from jax import lax
from jax.experimental import pallas as pl
from jax.experimental.pallas import tpu as pltpu
from jax.experimental.pallas import tpu_sc as plsc

T = 6
NC = 2
NS = 16
CH = 100
NB = 2


def _edge_table_body(emb_ref, w_ref, b_ref, out_ref):
    out_ref[...] = (
        jnp.dot(emb_ref[...], w_ref[...], preferred_element_type=jnp.float32)
        + b_ref[...]
    )


def _edge_table(emb, w_edge, b_edge):
    n, h = emb.shape
    th = w_edge.shape[1]
    blk = 5000
    grid = n // blk
    return pl.pallas_call(
        _edge_table_body,
        grid=(grid,),
        in_specs=[
            pl.BlockSpec((blk, h), lambda i: (i, 0)),
            pl.BlockSpec((h, th), lambda i: (0, 0)),
            pl.BlockSpec((1, th), lambda i: (0, 0)),
        ],
        out_specs=pl.BlockSpec((blk, th), lambda i: (i, 0)),
        out_shape=jax.ShapeDtypeStruct((n, th), jnp.float32),
    )(emb, w_edge, b_edge.reshape(1, th))


SB = 20


def _make_sc_scatter(npad, h, e):
    ew = e // (NC * NS)
    nch = ew // CH
    nsb = nch // SB
    rows_per_sub = npad // NS
    mesh = plsc.VectorSubcoreMesh(
        core_axis_name="c", subcore_axis_name="s", num_cores=NC, num_subcores=NS
    )

    @functools.partial(
        pl.kernel,
        out_type=jax.ShapeDtypeStruct((NC, npad, h), jnp.float32),
        mesh=mesh,
        scratch_types=[
            pltpu.VMEM((2, SB, CH), jnp.int32),
            pltpu.VMEM((2, SB, CH), jnp.int32),
            pltpu.VMEM((NB, CH, h), jnp.float32),
            pltpu.VMEM_SHARED((npad, h), jnp.float32),
            [pltpu.SemaphoreType.DMA] * NB,
            pltpu.SemaphoreType.DMA,
            pltpu.SemaphoreType.DMA,
        ],
    )
    def sc_scatter(xall, g3, d3, out, gidx, didx, rows, acc, gsem, sg, sd):
        c = lax.axis_index("c")
        s = lax.axis_index("s")
        w = c * NS + s

        def zbody(i, _):
            for k in range(h // 16):
                rows[0, i, pl.ds(k * 16, 16)] = jnp.zeros((16,), jnp.float32)
            return 0

        lax.fori_loop(0, CH, zbody, 0)
        nfull, rem = rows_per_sub // CH, rows_per_sub % CH
        for q in range(nfull):
            pltpu.sync_copy(
                rows.at[0], acc.at[pl.ds(s * rows_per_sub + q * CH, CH)])
        if rem:
            pltpu.sync_copy(
                rows.at[0, :rem], acc.at[pl.ds(s * rows_per_sub + nfull * CH, rem)])
        plsc.subcore_barrier()

        pltpu.sync_copy(g3.at[w, 0], gidx.at[0])
        pltpu.sync_copy(d3.at[w, 0], didx.at[0])
        pltpu.async_copy(g3.at[w, 1], gidx.at[1], sg)
        pltpu.async_copy(d3.at[w, 1], didx.at[1], sd)
        for b in range(NB):
            pltpu.async_copy(xall.at[gidx.at[0, b]], rows.at[b], gsem[b])

        def sb_body(sb, _):
            p = lax.rem(sb, 2)

            def quad_body(q, _):
                j = q * NB
                for b in range(NB):
                    pltpu.make_async_copy(
                        xall.at[gidx.at[p, j + b]], rows.at[b], gsem[b]).wait()
                    pltpu.sync_copy(
                        rows.at[b], acc.at[didx.at[p, j + b]], add=True)
                    pltpu.async_copy(
                        xall.at[gidx.at[p, j + NB + b]], rows.at[b], gsem[b])
                return 0

            lax.fori_loop(0, SB // NB - 1, quad_body, 0)

            for b in range(NB):
                pltpu.make_async_copy(
                    xall.at[gidx.at[p, SB - NB + b]], rows.at[b],
                    gsem[b]).wait()
                pltpu.sync_copy(
                    rows.at[b], acc.at[didx.at[p, SB - NB + b]], add=True)

            @pl.when(sb + 1 < nsb)
            def _refill():
                pltpu.make_async_copy(g3.at[w, 0], gidx.at[0], sg).wait()
                pltpu.make_async_copy(d3.at[w, 0], didx.at[0], sd).wait()
                for b in range(NB):
                    pltpu.async_copy(
                        xall.at[gidx.at[1 - p, b]], rows.at[b], gsem[b])

            @pl.when(sb + 2 < nsb)
            def _prefetch():
                pltpu.async_copy(g3.at[w, sb + 2], gidx.at[p], sg)
                pltpu.async_copy(d3.at[w, sb + 2], didx.at[p], sd)

            return 0

        lax.fori_loop(0, nsb, sb_body, 0)
        plsc.subcore_barrier()

        pltpu.sync_copy(
            acc.at[pl.ds(s * rows_per_sub, rows_per_sub)],
            out.at[c, pl.ds(s * rows_per_sub, rows_per_sub)],
        )

    return sc_scatter


def _gru_body(i_ref, p_ref, wir_ref, bir_ref, wiz_ref, biz_ref,
              win_ref, bin_ref, whr_ref, whz_ref, whn_ref, bhn_ref, out_ref):
    x = i_ref[...]
    h = p_ref[0] + p_ref[1]

    def mm(a, w_ref):
        return jnp.dot(a, w_ref[...], preferred_element_type=jnp.float32)

    r = jax.nn.sigmoid(mm(x, wir_ref) + bir_ref[...] + mm(h, whr_ref))
    z = jax.nn.sigmoid(mm(x, wiz_ref) + biz_ref[...] + mm(h, whz_ref))
    nn = jnp.tanh(mm(x, win_ref) + bin_ref[...] + r * (mm(h, whn_ref) + bhn_ref[...]))
    out_ref[...] = (1.0 - z) * nn + z * h


def _gru(emb, partials, w_ir, b_ir, w_iz, b_iz, w_in, b_in, w_hr, w_hz,
         w_hn, b_hn):
    n, h = emb.shape
    blk = 5000
    grid = n // blk
    row_spec = pl.BlockSpec((blk, h), lambda i: (i, 0))
    p_spec = pl.BlockSpec((2, blk, h), lambda i: (0, i, 0))
    w_spec = pl.BlockSpec((h, h), lambda i: (0, 0))
    b_spec = pl.BlockSpec((1, h), lambda i: (0, 0))
    return pl.pallas_call(
        _gru_body,
        grid=(grid,),
        in_specs=[row_spec, p_spec,
                  w_spec, b_spec, w_spec, b_spec, w_spec, b_spec,
                  w_spec, w_spec, w_spec, b_spec],
        out_specs=row_spec,
        out_shape=jax.ShapeDtypeStruct((n, h), jnp.float32),
    )(emb, partials,
      w_ir, b_ir.reshape(1, h), w_iz, b_iz.reshape(1, h),
      w_in, b_in.reshape(1, h),
      w_hr, w_hz, w_hn, b_hn.reshape(1, h))


def kernel(statement_embeddings, source_indices, dest_indices, edge_types,
           num_nodes, hidden_size, config, W_edge, b_edge, W_ir, b_ir,
           W_iz, b_iz, W_in, b_in, W_hr, W_hz, W_hn, b_hn):
    n, h = statement_embeddings.shape
    e = source_indices.shape[0]

    npad = ((n + 8 * NS - 1) // (8 * NS)) * (8 * NS)
    nw = NC * NS
    x_all = _edge_table(statement_embeddings, W_edge, b_edge)
    x_all = x_all.reshape(n * T, h)
    nsb = e // (nw * SB * CH)
    g4 = (source_indices * T + edge_types).reshape(nw, nsb, SB, CH)
    dest4 = dest_indices.reshape(nw, nsb, SB, CH)
    sc = _make_sc_scatter(npad, h, e)
    partials = sc(x_all, g4, dest4)

    return _gru(statement_embeddings, partials,
                W_ir, b_ir, W_iz, b_iz, W_in, b_in, W_hr, W_hz, W_hn, b_hn)

# --- scband reference (transcript-rebuilt; emitter-appended) ---
"""Pipeline reference for scband-ggnnlayer-4698694222084 (READ-ONLY COPY).

The authoritative reference and input builder live on the scoring server;
editing this copy changes nothing except your own understanding.
"""

import jax, jax.numpy as jnp
import numpy as np

N = 10000
E = 320000
H = 128
T = 6  # num_edge_types hardcoded in module


def _xavier(k, shape):
    return jax.random.normal(k, shape, dtype=jnp.float32) * (2.0 / (shape[0] + shape[1])) ** 0.5


def setup_inputs(seed: int = 0):
    key = jax.random.key(seed)
    ks = jax.random.split(key, 16)
    inp = {}
    inp['statement_embeddings'] = jax.random.normal(ks[0], (N, H), dtype=jnp.float32)
    inp['source_indices'] = jax.random.randint(ks[1], (E,), 0, N, dtype=jnp.int32)
    inp['dest_indices'] = jnp.sort(jax.random.randint(ks[2], (E,), 0, N, dtype=jnp.int32))
    inp['edge_types'] = jax.random.randint(ks[3], (E,), 0, T, dtype=jnp.int32)
    inp['num_nodes'] = N
    inp['hidden_size'] = H
    inp['config'] = 0
    # edge_dense params: Dense(features=T*H) with xavier kernel, normal(1e-6) bias
    inp['W_edge'] = _xavier(ks[4], (H, T * H))
    inp['b_edge'] = jax.random.normal(ks[5], (T * H,), dtype=jnp.float32) * 1e-06
    # GRUCell params (flax convention: input-to-hidden dense with bias; hr/hz without bias; hn with bias)
    inp['W_ir'] = _xavier(ks[6], (H, H))
    inp['b_ir'] = jnp.zeros((H,), dtype=jnp.float32)
    inp['W_iz'] = _xavier(ks[7], (H, H))
    inp['b_iz'] = jnp.zeros((H,), dtype=jnp.float32)
    inp['W_in'] = _xavier(ks[8], (H, H))
    inp['b_in'] = jnp.zeros((H,), dtype=jnp.float32)
    inp['W_hr'] = _xavier(ks[9], (H, H))
    inp['W_hz'] = _xavier(ks[10], (H, H))
    inp['W_hn'] = _xavier(ks[11], (H, H))
    inp['b_hn'] = jnp.zeros((H,), dtype=jnp.float32)
    return inp


def reference(statement_embeddings, source_indices, dest_indices, edge_types, num_nodes,
              hidden_size, config, W_edge, b_edge, W_ir, b_ir, W_iz, b_iz, W_in, b_in,
              W_hr, W_hz, W_hn, b_hn):
    num_edge_types = 6
    num_edges = edge_types.shape[0]
    hidden_size_static = statement_embeddings.shape[1]
    num_nodes_static = statement_embeddings.shape[0]
    source_indices = source_indices + (hidden_size - hidden_size)
    dest_indices = dest_indices + (num_nodes - num_nodes)
    # gather source node embeddings per edge
    source_embeddings = jnp.take(statement_embeddings, source_indices, axis=0)
    # edge_dense: project to all edge types at once
    new_source_embeddings_all_types = source_embeddings @ W_edge + b_edge
    new_source_embeddings_by_type = new_source_embeddings_all_types.reshape((-1, num_edge_types, hidden_size_static))
    # select per-edge type slice
    new_source_embeddings = new_source_embeddings_by_type[jnp.arange(num_edges), edge_types, :]
    # scatter-add into destination nodes
    proposed_statement_embeddings = jax.ops.segment_sum(new_source_embeddings, dest_indices, num_segments=num_nodes_static)
    # GRUCell(carry=proposed, inputs=statement_embeddings)
    i = statement_embeddings
    h = proposed_statement_embeddings
    r = jax.nn.sigmoid(i @ W_ir + b_ir + h @ W_hr)
    z = jax.nn.sigmoid(i @ W_iz + b_iz + h @ W_hz)
    n = jnp.tanh(i @ W_in + b_in + r * (h @ W_hn + b_hn))
    new_h = (1.0 - z) * n + z * h
    return new_h

if __name__ == "__main__":
    import jax
    _d = setup_inputs()
    print(jax.jit(kernel)(*tuple(_d.values())))

</pallas_src>

<mosaic_0001>
#map = affine_map<(d0, d1) -> (0, 0)>
#map1 = affine_map<(d0, d1) -> (0, 0, 0, 0)>
#map2 = affine_map<(d0, d1) -> (0, 0, 0)>
module attributes {stable_mosaic.version = 14 : i64} {
  func.func @sc_scatter(%arg0: i32, %arg1: i32, %arg2: memref<60000x128xf32, #tpu.memory_space<hbm>>, %arg3: memref<32x5x20x100xi32, #tpu.memory_space<hbm>>, %arg4: memref<32x5x20x100xi32, #tpu.memory_space<hbm>>, %arg5: memref<2x10112x128xf32, #tpu.memory_space<hbm>>, %arg6: memref<2x20x100xi32, #tpu.memory_space<vmem>>, %arg7: memref<2x20x100xi32, #tpu.memory_space<vmem>>, %arg8: memref<2x100x128xf32, #tpu.memory_space<vmem>>, %arg9: memref<10112x128xf32, #tpu.memory_space<vmem_shared>>, %arg10: memref<!tpu.dma_semaphore, #tpu.memory_space<semaphore_mem>>, %arg11: memref<!tpu.dma_semaphore, #tpu.memory_space<semaphore_mem>>, %arg12: memref<!tpu.dma_semaphore, #tpu.memory_space<semaphore_mem>>, %arg13: memref<!tpu.dma_semaphore, #tpu.memory_space<semaphore_mem>>) attributes {dimension_semantics = [#tpu.dimension_semantics<core_parallel>, #tpu.dimension_semantics<subcore_parallel>], iteration_bounds = array<i64: 2, 16>, scalar_prefetch = 0 : i64, scratch_operands = 8 : i64, tpu.core_type = #tpu.core_type<sc_vector_subcore>, window_params = [{transform_indices = #map}, {transform_indices = #map1}, {transform_indices = #map1}, {transform_indices = #map2}]} {
    %mul3A = arith.constant 16 : i32
    %mul3A_0 = arith.muli %arg0, %mul3A : i32
    %add3A = arith.addi %mul3A_0, %arg1 : i32
    %scan3A = arith.constant 0 : i32
    %scan3A_1 = arith.constant 0 : i32
    %scan3A_2 = arith.constant 100 : i32
    %scan3A_3 = arith.addi %scan3A_1, %scan3A_2 : i32
    %scan3A_4 = arith.constant 1 : i32
    %scan3A_5 = scf.for %scan3A_118 = %scan3A_1 to %scan3A_3 step %scan3A_4 iter_args(%scan3A_119 = %scan3A) -> (i32)  : i32 {
      %broadcast_in_dim3A = arith.constant 0.000000e+00 : f32
      %broadcast_in_dim3A_120 = vector.broadcast %broadcast_in_dim3A : f32 to vector<16xf32>
      %swap3A = arith.constant 0 : i32
      %swap3A_121 = arith.index_cast %swap3A : i32 to index
      %swap3A_122 = arith.index_cast %scan3A_118 : i32 to index
      %swap3A_123 = arith.constant 0 : index
      %swap3A_124 = tpu.vector_load %arg8[%swap3A_121, %swap3A_122, %swap3A_123] {strides = array<i32>} : memref<2x100x128xf32, #tpu.memory_space<vmem>>, vector<1x1x16xf32>,
      %swap3A_125 = vector.shape_cast %swap3A_124 : vector<1x1x16xf32> to vector<16xf32>
      %swap3A_126 = vector.shape_cast %broadcast_in_dim3A_120 : vector<16xf32> to vector<1x1x16xf32>
      tpu.vector_store %arg8[%swap3A_121, %swap3A_122, %swap3A_123], %swap3A_126 {strides = array<i32>} : memref<2x100x128xf32, #tpu.memory_space<vmem>>, vector<1x1x16xf32>,
      %broadcast_in_dim3A_127 = arith.constant 0.000000e+00 : f32
      %broadcast_in_dim3A_128 = vector.broadcast %broadcast_in_dim3A_127 : f32 to vector<16xf32>
      %swap3A_129 = arith.constant 0 : i32
      %swap3A_130 = arith.index_cast %swap3A_129 : i32 to index
      %swap3A_131 = arith.index_cast %scan3A_118 : i32 to index
      %swap3A_132 = arith.constant 16 : index
      %swap3A_133 = tpu.vector_load %arg8[%swap3A_130, %swap3A_131, %swap3A_132] {strides = array<i32>} : memref<2x100x128xf32, #tpu.memory_space<vmem>>, vector<1x1x16xf32>,
      %swap3A_134 = vector.shape_cast %swap3A_133 : vector<1x1x16xf32> to vector<16xf32>
      %swap3A_135 = vector.shape_cast %broadcast_in_dim3A_128 : vector<16xf32> to vector<1x1x16xf32>
      tpu.vector_store %arg8[%swap3A_130, %swap3A_131, %swap3A_132], %swap3A_135 {strides = array<i32>} : memref<2x100x128xf32, #tpu.memory_space<vmem>>, vector<1x1x16xf32>,
      %broadcast_in_dim3A_136 = arith.constant 0.000000e+00 : f32
      %broadcast_in_dim3A_137 = vector.broadcast %broadcast_in_dim3A_136 : f32 to vector<16xf32>
      %swap3A_138 = arith.constant 0 : i32
      %swap3A_139 = arith.index_cast %swap3A_138 : i32 to index
      %swap3A_140 = arith.index_cast %scan3A_118 : i32 to index
      %swap3A_141 = arith.constant 32 : index
      %swap3A_142 = tpu.vector_load %arg8[%swap3A_139, %swap3A_140, %swap3A_141] {strides = array<i32>} : memref<2x100x128xf32, #tpu.memory_space<vmem>>, vector<1x1x16xf32>,
      %swap3A_143 = vector.shape_cast %swap3A_142 : vector<1x1x16xf32> to vector<16xf32>
      %swap3A_144 = vector.shape_cast %broadcast_in_dim3A_137 : vector<16xf32> to vector<1x1x16xf32>
      tpu.vector_store %arg8[%swap3A_139, %swap3A_140, %swap3A_141], %swap3A_144 {strides = array<i32>} : memref<2x100x128xf32, #tpu.memory_space<vmem>>, vector<1x1x16xf32>,
      %broadcast_in_dim3A_145 = arith.constant 0.000000e+00 : f32
      %broadcast_in_dim3A_146 = vector.broadcast %broadcast_in_dim3A_145 : f32 to vector<16xf32>
      %swap3A_147 = arith.constant 0 : i32
      %swap3A_148 = arith.index_cast %swap3A_147 : i32 to index
      %swap3A_149 = arith.index_cast %scan3A_118 : i32 to index
      %swap3A_150 = arith.constant 48 : index
      %swap3A_151 = tpu.vector_load %arg8[%swap3A_148, %swap3A_149, %swap3A_150] {strides = array<i32>} : memref<2x100x128xf32, #tpu.memory_space<vmem>>, vector<1x1x16xf32>,
      %swap3A_152 = vector.shape_cast %swap3A_151 : vector<1x1x16xf32> to vector<16xf32>
      %swap3A_153 = vector.shape_cast %broadcast_in_dim3A_146 : vector<16xf32> to vector<1x1x16xf32>
      tpu.vector_store %arg8[%swap3A_148, %swap3A_149, %swap3A_150], %swap3A_153 {strides = array<i32>} : memref<2x100x128xf32, #tpu.memory_space<vmem>>, vector<1x1x16xf32>,
      %broadcast_in_dim3A_154 = arith.constant 0.000000e+00 : f32
      %broadcast_in_dim3A_155 = vector.broadcast %broadcast_in_dim3A_154 : f32 to vector<16xf32>
      %swap3A_156 = arith.constant 0 : i32
      %swap3A_157 = arith.index_cast %swap3A_156 : i32 to index
      %swap3A_158 = arith.index_cast %scan3A_118 : i32 to index
      %swap3A_159 = arith.constant 64 : index
      %swap3A_160 = tpu.vector_load %arg8[%swap3A_157, %swap3A_158, %swap3A_159] {strides = array<i32>} : memref<2x100x128xf32, #tpu.memory_space<vmem>>, vector<1x1x16xf32>,
      %swap3A_161 = vector.shape_cast %swap3A_160 : vector<1x1x16xf32> to vector<16xf32>
      %swap3A_162 = vector.shape_cast %broadcast_in_dim3A_155 : vector<16xf32> to vector<1x1x16xf32>
      tpu.vector_store %arg8[%swap3A_157, %swap3A_158, %swap3A_159], %swap3A_162 {strides = array<i32>} : memref<2x100x128xf32, #tpu.memory_space<vmem>>, vector<1x1x16xf32>,
      %broadcast_in_dim3A_163 = arith.constant 0.000000e+00 : f32
      %broadcast_in_dim3A_164 = vector.broadcast %broadcast_in_dim3A_163 : f32 to vector<16xf32>
      %swap3A_165 = arith.constant 0 : i32
      %swap3A_166 = arith.index_cast %swap3A_165 : i32 to index
      %swap3A_167 = arith.index_cast %scan3A_118 : i32 to index
      %swap3A_168 = arith.constant 80 : index
      %swap3A_169 = tpu.vector_load %arg8[%swap3A_166, %swap3A_167, %swap3A_168] {strides = array<i32>} : memref<2x100x128xf32, #tpu.memory_space<vmem>>, vector<1x1x16xf32>,
      %swap3A_170 = vector.shape_cast %swap3A_169 : vector<1x1x16xf32> to vector<16xf32>
      %swap3A_171 = vector.shape_cast %broadcast_in_dim3A_164 : vector<16xf32> to vector<1x1x16xf32>
      tpu.vector_store %arg8[%swap3A_166, %swap3A_167, %swap3A_168], %swap3A_171 {strides = array<i32>} : memref<2x100x128xf32, #tpu.memory_space<vmem>>, vector<1x1x16xf32>,
      %broadcast_in_dim3A_172 = arith.constant 0.000000e+00 : f32
      %broadcast_in_dim3A_173 = vector.broadcast %broadcast_in_dim3A_172 : f32 to vector<16xf32>
      %swap3A_174 = arith.constant 0 : i32
      %swap3A_175 = arith.index_cast %swap3A_174 : i32 to index
      %swap3A_176 = arith.index_cast %scan3A_118 : i32 to index
      %swap3A_177 = arith.constant 96 : index
      %swap3A_178 = tpu.vector_load %arg8[%swap3A_175, %swap3A_176, %swap3A_177] {strides = array<i32>} : memref<2x100x128xf32, #tpu.memory_space<vmem>>, vector<1x1x16xf32>,
      %swap3A_179 = vector.shape_cast %swap3A_178 : vector<1x1x16xf32> to vector<16xf32>
      %swap3A_180 = vector.shape_cast %broadcast_in_dim3A_173 : vector<16xf32> to vector<1x1x16xf32>
      tpu.vector_store %arg8[%swap3A_175, %swap3A_176, %swap3A_177], %swap3A_180 {strides = array<i32>} : memref<2x100x128xf32, #tpu.memory_space<vmem>>, vector<1x1x16xf32>,
      %broadcast_in_dim3A_181 = arith.constant 0.000000e+00 : f32
      %broadcast_in_dim3A_182 = vector.broadcast %broadcast_in_dim3A_181 : f32 to vector<16xf32>
      %swap3A_183 = arith.constant 0 : i32
      %swap3A_184 = arith.index_cast %swap3A_183 : i32 to index
      %swap3A_185 = arith.index_cast %scan3A_118 : i32 to index
      %swap3A_186 = arith.constant 112 : index
      %swap3A_187 = tpu.vector_load %arg8[%swap3A_184, %swap3A_185, %swap3A_186] {strides = array<i32>} : memref<2x100x128xf32, #tpu.memory_space<vmem>>, vector<1x1x16xf32>,
      %swap3A_188 = vector.shape_cast %swap3A_187 : vector<1x1x16xf32> to vector<16xf32>
      %swap3A_189 = vector.shape_cast %broadcast_in_dim3A_182 : vector<16xf32> to vector<1x1x16xf32>
      tpu.vector_store %arg8[%swap3A_184, %swap3A_185, %swap3A_186], %swap3A_189 {strides = array<i32>} : memref<2x100x128xf32, #tpu.memory_space<vmem>>, vector<1x1x16xf32>,
      %scan3A_190 = arith.constant 0 : i32
      scf.yield %scan3A_190 : i32
    }
    %scan3A_6 = arith.constant 100 : i32
    %mul3A_7 = arith.constant 632 : i32
    %mul3A_8 = arith.muli %arg1, %mul3A_7 : i32
    %add3A_9 = arith.constant 0 : i32
    %add3A_10 = arith.addi %mul3A_8, %add3A_9 : i32
    %run_scoped3A = arith.constant 0 : i32
    "tpu.region"() ({
      %run_scoped3A_118 = tpu.sem_alloc : memref<!tpu.dma_semaphore, #tpu.memory_space<semaphore_mem>>
      %dma_start3A_119 = arith.constant 0 : i32
      %dma_start3A_120 = arith.constant 0 : i32
      %dma_start3A_121 = tpu.memref_slice %arg8[%run_scoped3A, %dma_start3A_119, %dma_start3A_120] : memref<2x100x128xf32, #tpu.memory_space<vmem>> -> memref<1x100x128xf32, #tpu.memory_space<vmem>>
      %dma_start3A_122 = tpu.memref_squeeze %dma_start3A_121 : memref<1x100x128xf32, #tpu.memory_space<vmem>> -> memref<100x128xf32, #tpu.memory_space<vmem>>
      %dma_start3A_123 = arith.constant 0 : i32
      %dma_start3A_124 = tpu.memref_slice %arg9[%add3A_10, %dma_start3A_123] : memref<10112x128xf32, #tpu.memory_space<vmem_shared>> -> memref<100x128xf32, #tpu.memory_space<vmem_shared>>
      %dma_start3A_125 = arith.constant 0 : i32
      %dma_start3A_126 = tpu.memref_slice %arg9[%add3A_10, %dma_start3A_125] : memref<10112x128xf32, #tpu.memory_space<vmem_shared>> -> memref<100x128xf32, #tpu.memory_space<vmem_shared>>
      %dma_start3A_127 = arith.constant 0 : i32
      %dma_start3A_128 = arith.constant 0 : i32
      %dma_start3A_129 = tpu.memref_slice %arg8[%run_scoped3A, %dma_start3A_127, %dma_start3A_128] : memref<2x100x128xf32, #tpu.memory_space<vmem>> -> memref<1x100x128xf32, #tpu.memory_space<vmem>>
      %dma_start3A_130 = tpu.memref_squeeze %dma_start3A_129 : memref<1x100x128xf32, #tpu.memory_space<vmem>> -> memref<100x128xf32, #tpu.memory_space<vmem>>
      tpu.enqueue_dma source(%dma_start3A_130 : memref<100x128xf32, #tpu.memory_space<vmem>>) target(%dma_start3A_126 : memref<100x128xf32, #tpu.memory_space<vmem_shared>>) target_semaphore(%run_scoped3A_118 : memref<!tpu.dma_semaphore, #tpu.memory_space<semaphore_mem>>)
      %dma_wait3A = arith.constant 0 : i32
      %dma_wait3A_131 = arith.constant 0 : i32
      %dma_wait3A_132 = tpu.memref_slice %arg8[%run_scoped3A, %dma_wait3A, %dma_wait3A_131] : memref<2x100x128xf32, #tpu.memory_space<vmem>> -> memref<1x100x128xf32, #tpu.memory_space<vmem>>
      %dma_wait3A_133 = tpu.memref_squeeze %dma_wait3A_132 : memref<1x100x128xf32, #tpu.memory_space<vmem>> -> memref<100x128xf32, #tpu.memory_space<vmem>>
      %dma_wait3A_134 = arith.constant 0 : i32
      %dma_wait3A_135 = tpu.memref_slice %arg9[%add3A_10, %dma_wait3A_134] : memref<10112x128xf32, #tpu.memory_space<vmem_shared>> -> memref<100x128xf32, #tpu.memory_space<vmem_shared>>
      %dma_wait3A_136 = arith.constant 0 : i32
      %dma_wait3A_137 = tpu.memref_slice %arg9[%add3A_10, %dma_wait3A_136] : memref<10112x128xf32, #tpu.memory_space<vmem_shared>> -> memref<100x128xf32, #tpu.memory_space<vmem_shared>>
      %dma_wait3A_138 = arith.constant 0 : i32
      %dma_wait3A_139 = arith.constant 0 : i32
      %dma_wait3A_140 = tpu.memref_slice %arg8[%run_scoped3A, %dma_wait3A_138, %dma_wait3A_139] : memref<2x100x128xf32, #tpu.memory_space<vmem>> -> memref<1x100x128xf32, #tpu.memory_space<vmem>>
      %dma_wait3A_141 = tpu.memref_squeeze %dma_wait3A_140 : memref<1x100x128xf32, #tpu.memory_space<vmem>> -> memref<100x128xf32, #tpu.memory_space<vmem>>
      tpu.wait_dma2 semaphore(%run_scoped3A_118 : memref<!tpu.dma_semaphore, #tpu.memory_space<semaphore_mem>>) src(%dma_wait3A_141 : memref<100x128xf32, #tpu.memory_space<vmem>>) dst(%dma_wait3A_137 : memref<100x128xf32, #tpu.memory_space<vmem_shared>>)
      tpu.yield
    }) : () -> ()
    %mul3A_11 = arith.constant 632 : i32
    %mul3A_12 = arith.muli %arg1, %mul3A_11 : i32
    %add3A_13 = arith.constant 100 : i32
    %add3A_14 = arith.addi %mul3A_12, %add3A_13 : i32
    %run_scoped3A_15 = arith.constant 0 : i32
    "tpu.region"() ({
      %run_scoped3A_118 = tpu.sem_alloc : memref<!tpu.dma_semaphore, #tpu.memory_space<semaphore_mem>>
      %dma_start3A_119 = arith.constant 0 : i32
      %dma_start3A_120 = arith.constant 0 : i32
      %dma_start3A_121 = tpu.memref_slice %arg8[%run_scoped3A_15, %dma_start3A_119, %dma_start3A_120] : memref<2x100x128xf32, #tpu.memory_space<vmem>> -> memref<1x100x128xf32, #tpu.memory_space<vmem>>
      %dma_start3A_122 = tpu.memref_squeeze %dma_start3A_121 : memref<1x100x128xf32, #tpu.memory_space<vmem>> -> memref<100x128xf32, #tpu.memory_space<vmem>>
      %dma_start3A_123 = arith.constant 0 : i32
      %dma_start3A_124 = tpu.memref_slice %arg9[%add3A_14, %dma_start3A_123] : memref<10112x128xf32, #tpu.memory_space<vmem_shared>> -> memref<100x128xf32, #tpu.memory_space<vmem_shared>>
      %dma_start3A_125 = arith.constant 0 : i32
      %dma_start3A_126 = tpu.memref_slice %arg9[%add3A_14, %dma_start3A_125] : memref<10112x128xf32, #tpu.memory_space<vmem_shared>> -> memref<100x128xf32, #tpu.memory_space<vmem_shared>>
      %dma_start3A_127 = arith.constant 0 : i32
      %dma_start3A_128 = arith.constant 0 : i32
      %dma_start3A_129 = tpu.memref_slice %arg8[%run_scoped3A_15, %dma_start3A_127, %dma_start3A_128] : memref<2x100x128xf32, #tpu.memory_space<vmem>> -> memref<1x100x128xf32, #tpu.memory_space<vmem>>
      %dma_start3A_130 = tpu.memref_squeeze %dma_start3A_129 : memref<1x100x128xf32, #tpu.memory_space<vmem>> -> memref<100x128xf32, #tpu.memory_space<vmem>>
      tpu.enqueue_dma source(%dma_start3A_130 : memref<100x128xf32, #tpu.memory_space<vmem>>) target(%dma_start3A_126 : memref<100x128xf32, #tpu.memory_space<vmem_shared>>) target_semaphore(%run_scoped3A_118 : memref<!tpu.dma_semaphore, #tpu.memory_space<semaphore_mem>>)
      %dma_wait3A = arith.constant 0 : i32
      %dma_wait3A_131 = arith.constant 0 : i32
      %dma_wait3A_132 = tpu.memref_slice %arg8[%run_scoped3A_15, %dma_wait3A, %dma_wait3A_131] : memref<2x100x128xf32, #tpu.memory_space<vmem>> -> memref<1x100x128xf32, #tpu.memory_space<vmem>>
      %dma_wait3A_133 = tpu.memref_squeeze %dma_wait3A_132 : memref<1x100x128xf32, #tpu.memory_space<vmem>> -> memref<100x128xf32, #tpu.memory_space<vmem>>
      %dma_wait3A_134 = arith.constant 0 : i32
      %dma_wait3A_135 = tpu.memref_slice %arg9[%add3A_14, %dma_wait3A_134] : memref<10112x128xf32, #tpu.memory_space<vmem_shared>> -> memref<100x128xf32, #tpu.memory_space<vmem_shared>>
      %dma_wait3A_136 = arith.constant 0 : i32
      %dma_wait3A_137 = tpu.memref_slice %arg9[%add3A_14, %dma_wait3A_136] : memref<10112x128xf32, #tpu.memory_space<vmem_shared>> -> memref<100x128xf32, #tpu.memory_space<vmem_shared>>
      %dma_wait3A_138 = arith.constant 0 : i32
      %dma_wait3A_139 = arith.constant 0 : i32
      %dma_wait3A_140 = tpu.memref_slice %arg8[%run_scoped3A_15, %dma_wait3A_138, %dma_wait3A_139] : memref<2x100x128xf32, #tpu.memory_space<vmem>> -> memref<1x100x128xf32, #tpu.memory_space<vmem>>
      %dma_wait3A_141 = tpu.memref_squeeze %dma_wait3A_140 : memref<1x100x128xf32, #tpu.memory_space<vmem>> -> memref<100x128xf32, #tpu.memory_space<vmem>>
      tpu.wait_dma2 semaphore(%run_scoped3A_118 : memref<!tpu.dma_semaphore, #tpu.memory_space<semaphore_mem>>) src(%dma_wait3A_141 : memref<100x128xf32, #tpu.memory_space<vmem>>) dst(%dma_wait3A_137 : memref<100x128xf32, #tpu.memory_space<vmem_shared>>)
      tpu.yield
    }) : () -> ()
    %mul3A_16 = arith.constant 632 : i32
    %mul3A_17 = arith.muli %arg1, %mul3A_16 : i32
    %add3A_18 = arith.constant 200 : i32
    %add3A_19 = arith.addi %mul3A_17, %add3A_18 : i32
    %run_scoped3A_20 = arith.constant 0 : i32
    "tpu.region"() ({
      %run_scoped3A_118 = tpu.sem_alloc : memref<!tpu.dma_semaphore, #tpu.memory_space<semaphore_mem>>
      %dma_start3A_119 = arith.constant 0 : i32
      %dma_start3A_120 = arith.constant 0 : i32
      %dma_start3A_121 = tpu.memref_slice %arg8[%run_scoped3A_20, %dma_start3A_119, %dma_start3A_120] : memref<2x100x128xf32, #tpu.memory_space<vmem>> -> memref<1x100x128xf32, #tpu.memory_space<vmem>>
      %dma_start3A_122 = tpu.memref_squeeze %dma_start3A_121 : memref<1x100x128xf32, #tpu.memory_space<vmem>> -> memref<100x128xf32, #tpu.memory_space<vmem>>
      %dma_start3A_123 = arith.constant 0 : i32
      %dma_start3A_124 = tpu.memref_slice %arg9[%add3A_19, %dma_start3A_123] : memref<10112x128xf32, #tpu.memory_space<vmem_shared>> -> memref<100x128xf32, #tpu.memory_space<vmem_shared>>
      %dma_start3A_125 = arith.constant 0 : i32
      %dma_start3A_126 = tpu.memref_slice %arg9[%add3A_19, %dma_start3A_125] : memref<10112x128xf32, #tpu.memory_space<vmem_shared>> -> memref<100x128xf32, #tpu.memory_space<vmem_shared>>
      %dma_start3A_127 = arith.constant 0 : i32
      %dma_start3A_128 = arith.constant 0 : i32
      %dma_start3A_129 = tpu.memref_slice %arg8[%run_scoped3A_20, %dma_start3A_127, %dma_start3A_128] : memref<2x100x128xf32, #tpu.memory_space<vmem>> -> memref<1x100x128xf32, #tpu.memory_space<vmem>>
      %dma_start3A_130 = tpu.memref_squeeze %dma_start3A_129 : memref<1x100x128xf32, #tpu.memory_space<vmem>> -> memref<100x128xf32, #tpu.memory_space<vmem>>
      tpu.enqueue_dma source(%dma_start3A_130 : memref<100x128xf32, #tpu.memory_space<vmem>>) target(%dma_start3A_126 : memref<100x128xf32, #tpu.memory_space<vmem_shared>>) target_semaphore(%run_scoped3A_118 : memref<!tpu.dma_semaphore, #tpu.memory_space<semaphore_mem>>)
      %dma_wait3A = arith.constant 0 : i32
      %dma_wait3A_131 = arith.constant 0 : i32
      %dma_wait3A_132 = tpu.memref_slice %arg8[%run_scoped3A_20, %dma_wait3A, %dma_wait3A_131] : memref<2x100x128xf32, #tpu.memory_space<vmem>> -> memref<1x100x128xf32, #tpu.memory_space<vmem>>
      %dma_wait3A_133 = tpu.memref_squeeze %dma_wait3A_132 : memref<1x100x128xf32, #tpu.memory_space<vmem>> -> memref<100x128xf32, #tpu.memory_space<vmem>>
      %dma_wait3A_134 = arith.constant 0 : i32
      %dma_wait3A_135 = tpu.memref_slice %arg9[%add3A_19, %dma_wait3A_134] : memref<10112x128xf32, #tpu.memory_space<vmem_shared>> -> memref<100x128xf32, #tpu.memory_space<vmem_shared>>
      %dma_wait3A_136 = arith.constant 0 : i32
      %dma_wait3A_137 = tpu.memref_slice %arg9[%add3A_19, %dma_wait3A_136] : memref<10112x128xf32, #tpu.memory_space<vmem_shared>> -> memref<100x128xf32, #tpu.memory_space<vmem_shared>>
      %dma_wait3A_138 = arith.constant 0 : i32
      %dma_wait3A_139 = arith.constant 0 : i32
      %dma_wait3A_140 = tpu.memref_slice %arg8[%run_scoped3A_20, %dma_wait3A_138, %dma_wait3A_139] : memref<2x100x128xf32, #tpu.memory_space<vmem>> -> memref<1x100x128xf32, #tpu.memory_space<vmem>>
      %dma_wait3A_141 = tpu.memref_squeeze %dma_wait3A_140 : memref<1x100x128xf32, #tpu.memory_space<vmem>> -> memref<100x128xf32, #tpu.memory_space<vmem>>
      tpu.wait_dma2 semaphore(%run_scoped3A_118 : memref<!tpu.dma_semaphore, #tpu.memory_space<semaphore_mem>>) src(%dma_wait3A_141 : memref<100x128xf32, #tpu.memory_space<vmem>>) dst(%dma_wait3A_137 : memref<100x128xf32, #tpu.memory_space<vmem_shared>>)
      tpu.yield
    }) : () -> ()
    %mul3A_21 = arith.constant 632 : i32
    %mul3A_22 = arith.muli %arg1, %mul3A_21 : i32
    %add3A_23 = arith.constant 300 : i32
    %add3A_24 = arith.addi %mul3A_22, %add3A_23 : i32
    %run_scoped3A_25 = arith.constant 0 : i32
    "tpu.region"() ({
      %run_scoped3A_118 = tpu.sem_alloc : memref<!tpu.dma_semaphore, #tpu.memory_space<semaphore_mem>>
      %dma_start3A_119 = arith.constant 0 : i32
      %dma_start3A_120 = arith.constant 0 : i32
      %dma_start3A_121 = tpu.memref_slice %arg8[%run_scoped3A_25, %dma_start3A_119, %dma_start3A_120] : memref<2x100x128xf32, #tpu.memory_space<vmem>> -> memref<1x100x128xf32, #tpu.memory_space<vmem>>
      %dma_start3A_122 = tpu.memref_squeeze %dma_start3A_121 : memref<1x100x128xf32, #tpu.memory_space<vmem>> -> memref<100x128xf32, #tpu.memory_space<vmem>>
      %dma_start3A_123 = arith.constant 0 : i32
      %dma_start3A_124 = tpu.memref_slice %arg9[%add3A_24, %dma_start3A_123] : memref<10112x128xf32, #tpu.memory_space<vmem_shared>> -> memref<100x128xf32, #tpu.memory_space<vmem_shared>>
      %dma_start3A_125 = arith.constant 0 : i32
      %dma_start3A_126 = tpu.memref_slice %arg9[%add3A_24, %dma_start3A_125] : memref<10112x128xf32, #tpu.memory_space<vmem_shared>> -> memref<100x128xf32, #tpu.memory_space<vmem_shared>>
      %dma_start3A_127 = arith.constant 0 : i32
      %dma_start3A_128 = arith.constant 0 : i32
      %dma_start3A_129 = tpu.memref_slice %arg8[%run_scoped3A_25, %dma_start3A_127, %dma_start3A_128] : memref<2x100x128xf32, #tpu.memory_space<vmem>> -> memref<1x100x128xf32, #tpu.memory_space<vmem>>
      %dma_start3A_130 = tpu.memref_squeeze %dma_start3A_129 : memref<1x100x128xf32, #tpu.memory_space<vmem>> -> memref<100x128xf32, #tpu.memory_space<vmem>>
      tpu.enqueue_dma source(%dma_start3A_130 : memref<100x128xf32, #tpu.memory_space<vmem>>) target(%dma_start3A_126 : memref<100x128xf32, #tpu.memory_space<vmem_shared>>) target_semaphore(%run_scoped3A_118 : memref<!tpu.dma_semaphore, #tpu.memory_space<semaphore_mem>>)
      %dma_wait3A = arith.constant 0 : i32
      %dma_wait3A_131 = arith.constant 0 : i32
      %dma_wait3A_132 = tpu.memref_slice %arg8[%run_scoped3A_25, %dma_wait3A, %dma_wait3A_131] : memref<2x100x128xf32, #tpu.memory_space<vmem>> -> memref<1x100x128xf32, #tpu.memory_space<vmem>>
      %dma_wait3A_133 = tpu.memref_squeeze %dma_wait3A_132 : memref<1x100x128xf32, #tpu.memory_space<vmem>> -> memref<100x128xf32, #tpu.memory_space<vmem>>
      %dma_wait3A_134 = arith.constant 0 : i32
      %dma_wait3A_135 = tpu.memref_slice %arg9[%add3A_24, %dma_wait3A_134] : memref<10112x128xf32, #tpu.memory_space<vmem_shared>> -> memref<100x128xf32, #tpu.memory_space<vmem_shared>>
      %dma_wait3A_136 = arith.constant 0 : i32
      %dma_wait3A_137 = tpu.memref_slice %arg9[%add3A_24, %dma_wait3A_136] : memref<10112x128xf32, #tpu.memory_space<vmem_shared>> -> memref<100x128xf32, #tpu.memory_space<vmem_shared>>
      %dma_wait3A_138 = arith.constant 0 : i32
      %dma_wait3A_139 = arith.constant 0 : i32
      %dma_wait3A_140 = tpu.memref_slice %arg8[%run_scoped3A_25, %dma_wait3A_138, %dma_wait3A_139] : memref<2x100x128xf32, #tpu.memory_space<vmem>> -> memref<1x100x128xf32, #tpu.memory_space<vmem>>
      %dma_wait3A_141 = tpu.memref_squeeze %dma_wait3A_140 : memref<1x100x128xf32, #tpu.memory_space<vmem>> -> memref<100x128xf32, #tpu.memory_space<vmem>>
      tpu.wait_dma2 semaphore(%run_scoped3A_118 : memref<!tpu.dma_semaphore, #tpu.memory_space<semaphore_mem>>) src(%dma_wait3A_141 : memref<100x128xf32, #tpu.memory_space<vmem>>) dst(%dma_wait3A_137 : memref<100x128xf32, #tpu.memory_space<vmem_shared>>)
      tpu.yield
    }) : () -> ()
    %mul3A_26 = arith.constant 632 : i32
    %mul3A_27 = arith.muli %arg1, %mul3A_26 : i32
    %add3A_28 = arith.constant 400 : i32
    %add3A_29 = arith.addi %mul3A_27, %add3A_28 : i32
    %run_scoped3A_30 = arith.constant 0 : i32
    "tpu.region"() ({
      %run_scoped3A_118 = tpu.sem_alloc : memref<!tpu.dma_semaphore, #tpu.memory_space<semaphore_mem>>
      %dma_start3A_119 = arith.constant 0 : i32
      %dma_start3A_120 = arith.constant 0 : i32
      %dma_start3A_121 = tpu.memref_slice %arg8[%run_scoped3A_30, %dma_start3A_119, %dma_start3A_120] : memref<2x100x128xf32, #tpu.memory_space<vmem>> -> memref<1x100x128xf32, #tpu.memory_space<vmem>>
      %dma_start3A_122 = tpu.memref_squeeze %dma_start3A_121 : memref<1x100x128xf32, #tpu.memory_space<vmem>> -> memref<100x128xf32, #tpu.memory_space<vmem>>
      %dma_start3A_123 = arith.constant 0 : i32
      %dma_start3A_124 = tpu.memref_slice %arg9[%add3A_29, %dma_start3A_123] : memref<10112x128xf32, #tpu.memory_space<vmem_shared>> -> memref<100x128xf32, #tpu.memory_space<vmem_shared>>
      %dma_start3A_125 = arith.constant 0 : i32
      %dma_start3A_126 = tpu.memref_slice %arg9[%add3A_29, %dma_start3A_125] : memref<10112x128xf32, #tpu.memory_space<vmem_shared>> -> memref<100x128xf32, #tpu.memory_space<vmem_shared>>
      %dma_start3A_127 = arith.constant 0 : i32
      %dma_start3A_128 = arith.constant 0 : i32
      %dma_start3A_129 = tpu.memref_slice %arg8[%run_scoped3A_30, %dma_start3A_127, %dma_start3A_128] : memref<2x100x128xf32, #tpu.memory_space<vmem>> -> memref<1x100x128xf32, #tpu.memory_space<vmem>>
      %dma_start3A_130 = tpu.memref_squeeze %dma_start3A_129 : memref<1x100x128xf32, #tpu.memory_space<vmem>> -> memref<100x128xf32, #tpu.memory_space<vmem>>
      tpu.enqueue_dma source(%dma_start3A_130 : memref<100x128xf32, #tpu.memory_space<vmem>>) target(%dma_start3A_126 : memref<100x128xf32, #tpu.memory_space<vmem_shared>>) target_semaphore(%run_scoped3A_118 : memref<!tpu.dma_semaphore, #tpu.memory_space<semaphore_mem>>)
      %dma_wait3A = arith.constant 0 : i32
      %dma_wait3A_131 = arith.constant 0 : i32
      %dma_wait3A_132 = tpu.memref_slice %arg8[%run_scoped3A_30, %dma_wait3A, %dma_wait3A_131] : memref<2x100x128xf32, #tpu.memory_space<vmem>> -> memref<1x100x128xf32, #tpu.memory_space<vmem>>
      %dma_wait3A_133 = tpu.memref_squeeze %dma_wait3A_132 : memref<1x100x128xf32, #tpu.memory_space<vmem>> -> memref<100x128xf32, #tpu.memory_space<vmem>>
      %dma_wait3A_134 = arith.constant 0 : i32
      %dma_wait3A_135 = tpu.memref_slice %arg9[%add3A_29, %dma_wait3A_134] : memref<10112x128xf32, #tpu.memory_space<vmem_shared>> -> memref<100x128xf32, #tpu.memory_space<vmem_shared>>
      %dma_wait3A_136 = arith.constant 0 : i32
      %dma_wait3A_137 = tpu.memref_slice %arg9[%add3A_29, %dma_wait3A_136] : memref<10112x128xf32, #tpu.memory_space<vmem_shared>> -> memref<100x128xf32, #tpu.memory_space<vmem_shared>>
      %dma_wait3A_138 = arith.constant 0 : i32
      %dma_wait3A_139 = arith.constant 0 : i32
      %dma_wait3A_140 = tpu.memref_slice %arg8[%run_scoped3A_30, %dma_wait3A_138, %dma_wait3A_139] : memref<2x100x128xf32, #tpu.memory_space<vmem>> -> memref<1x100x128xf32, #tpu.memory_space<vmem>>
      %dma_wait3A_141 = tpu.memref_squeeze %dma_wait3A_140 : memref<1x100x128xf32, #tpu.memory_space<vmem>> -> memref<100x128xf32, #tpu.memory_space<vmem>>
      tpu.wait_dma2 semaphore(%run_scoped3A_118 : memref<!tpu.dma_semaphore, #tpu.memory_space<semaphore_mem>>) src(%dma_wait3A_141 : memref<100x128xf32, #tpu.memory_space<vmem>>) dst(%dma_wait3A_137 : memref<100x128xf32, #tpu.memory_space<vmem_shared>>)
      tpu.yield
    }) : () -> ()
    %mul3A_31 = arith.constant 632 : i32
    %mul3A_32 = arith.muli %arg1, %mul3A_31 : i32
    %add3A_33 = arith.constant 500 : i32
    %add3A_34 = arith.addi %mul3A_32, %add3A_33 : i32
    %run_scoped3A_35 = arith.constant 0 : i32
    "tpu.region"() ({
      %run_scoped3A_118 = tpu.sem_alloc : memref<!tpu.dma_semaphore, #tpu.memory_space<semaphore_mem>>
      %dma_start3A_119 = arith.constant 0 : i32
      %dma_start3A_120 = arith.constant 0 : i32
      %dma_start3A_121 = tpu.memref_slice %arg8[%run_scoped3A_35, %dma_start3A_119, %dma_start3A_120] : memref<2x100x128xf32, #tpu.memory_space<vmem>> -> memref<1x100x128xf32, #tpu.memory_space<vmem>>
      %dma_start3A_122 = tpu.memref_squeeze %dma_start3A_121 : memref<1x100x128xf32, #tpu.memory_space<vmem>> -> memref<100x128xf32, #tpu.memory_space<vmem>>
      %dma_start3A_123 = arith.constant 0 : i32
      %dma_start3A_124 = tpu.memref_slice %arg9[%add3A_34, %dma_start3A_123] : memref<10112x128xf32, #tpu.memory_space<vmem_shared>> -> memref<100x128xf32, #tpu.memory_space<vmem_shared>>
      %dma_start3A_125 = arith.constant 0 : i32
      %dma_start3A_126 = tpu.memref_slice %arg9[%add3A_34, %dma_start3A_125] : memref<10112x128xf32, #tpu.memory_space<vmem_shared>> -> memref<100x128xf32, #tpu.memory_space<vmem_shared>>
      %dma_start3A_127 = arith.constant 0 : i32
      %dma_start3A_128 = arith.constant 0 : i32
      %dma_start3A_129 = tpu.memref_slice %arg8[%run_scoped3A_35, %dma_start3A_127, %dma_start3A_128] : memref<2x100x128xf32, #tpu.memory_space<vmem>> -> memref<1x100x128xf32, #tpu.memory_space<vmem>>
      %dma_start3A_130 = tpu.memref_squeeze %dma_start3A_129 : memref<1x100x128xf32, #tpu.memory_space<vmem>> -> memref<100x128xf32, #tpu.memory_space<vmem>>
      tpu.enqueue_dma source(%dma_start3A_130 : memref<100x128xf32, #tpu.memory_space<vmem>>) target(%dma_start3A_126 : memref<100x128xf32, #tpu.memory_space<vmem_shared>>) target_semaphore(%run_scoped3A_118 : memref<!tpu.dma_semaphore, #tpu.memory_space<semaphore_mem>>)
      %dma_wait3A = arith.constant 0 : i32
      %dma_wait3A_131 = arith.constant 0 : i32
      %dma_wait3A_132 = tpu.memref_slice %arg8[%run_scoped3A_35, %dma_wait3A, %dma_wait3A_131] : memref<2x100x128xf32, #tpu.memory_space<vmem>> -> memref<1x100x128xf32, #tpu.memory_space<vmem>>
      %dma_wait3A_133 = tpu.memref_squeeze %dma_wait3A_132 : memref<1x100x128xf32, #tpu.memory_space<vmem>> -> memref<100x128xf32, #tpu.memory_space<vmem>>
      %dma_wait3A_134 = arith.constant 0 : i32
      %dma_wait3A_135 = tpu.memref_slice %arg9[%add3A_34, %dma_wait3A_134] : memref<10112x128xf32, #tpu.memory_space<vmem_shared>> -> memref<100x128xf32, #tpu.memory_space<vmem_shared>>
      %dma_wait3A_136 = arith.constant 0 : i32
      %dma_wait3A_137 = tpu.memref_slice %arg9[%add3A_34, %dma_wait3A_136] : memref<10112x128xf32, #tpu.memory_space<vmem_shared>> -> memref<100x128xf32, #tpu.memory_space<vmem_shared>>
      %dma_wait3A_138 = arith.constant 0 : i32
      %dma_wait3A_139 = arith.constant 0 : i32
      %dma_wait3A_140 = tpu.memref_slice %arg8[%run_scoped3A_35, %dma_wait3A_138, %dma_wait3A_139] : memref<2x100x128xf32, #tpu.memory_space<vmem>> -> memref<1x100x128xf32, #tpu.memory_space<vmem>>
      %dma_wait3A_141 = tpu.memref_squeeze %dma_wait3A_140 : memref<1x100x128xf32, #tpu.memory_space<vmem>> -> memref<100x128xf32, #tpu.memory_space<vmem>>
      tpu.wait_dma2 semaphore(%run_scoped3A_118 : memref<!tpu.dma_semaphore, #tpu.memory_space<semaphore_mem>>) src(%dma_wait3A_141 : memref<100x128xf32, #tpu.memory_space<vmem>>) dst(%dma_wait3A_137 : memref<100x128xf32, #tpu.memory_space<vmem_shared>>)
      tpu.yield
    }) : () -> ()
    %mul3A_36 = arith.constant 632 : i32
    %mul3A_37 = arith.muli %arg1, %mul3A_36 : i32
    %add3A_38 = arith.constant 600 : i32
    %add3A_39 = arith.addi %mul3A_37, %add3A_38 : i32
    %run_scoped3A_40 = arith.constant 0 : i32
    "tpu.region"() ({
      %run_scoped3A_118 = tpu.sem_alloc : memref<!tpu.dma_semaphore, #tpu.memory_space<semaphore_mem>>
      %dma_start3A_119 = arith.constant 0 : i32
      %dma_start3A_120 = arith.constant 0 : i32
      %dma_start3A_121 = tpu.memref_slice %arg8[%run_scoped3A_40, %dma_start3A_119, %dma_start3A_120] : memref<2x100x128xf32, #tpu.memory_space<vmem>> -> memref<1x32x128xf32, #tpu.memory_space<vmem>>
      %dma_start3A_122 = tpu.memref_squeeze %dma_start3A_121 : memref<1x32x128xf32, #tpu.memory_space<vmem>> -> memref<32x128xf32, #tpu.memory_space<vmem>>
      %dma_start3A_123 = arith.constant 0 : i32
      %dma_start3A_124 = tpu.memref_slice %arg9[%add3A_39, %dma_start3A_123] : memref<10112x128xf32, #tpu.memory_space<vmem_shared>> -> memref<32x128xf32, #tpu.memory_space<vmem_shared>>
      %dma_start3A_125 = arith.constant 0 : i32
      %dma_start3A_126 = tpu.memref_slice %arg9[%add3A_39, %dma_start3A_125] : memref<10112x128xf32, #tpu.memory_space<vmem_shared>> -> memref<32x128xf32, #tpu.memory_space<vmem_shared>>
      %dma_start3A_127 = arith.constant 0 : i32
      %dma_start3A_128 = arith.constant 0 : i32
      %dma_start3A_129 = tpu.memref_slice %arg8[%run_scoped3A_40, %dma_start3A_127, %dma_start3A_128] : memref<2x100x128xf32, #tpu.memory_space<vmem>> -> memref<1x32x128xf32, #tpu.memory_space<vmem>>
      %dma_start3A_130 = tpu.memref_squeeze %dma_start3A_129 : memref<1x32x128xf32, #tpu.memory_space<vmem>> -> memref<32x128xf32, #tpu.memory_space<vmem>>
      tpu.enqueue_dma source(%dma_start3A_130 : memref<32x128xf32, #tpu.memory_space<vmem>>) target(%dma_start3A_126 : memref<32x128xf32, #tpu.memory_space<vmem_shared>>) target_semaphore(%run_scoped3A_118 : memref<!tpu.dma_semaphore, #tpu.memory_space<semaphore_mem>>)
      %dma_wait3A = arith.constant 0 : i32
      %dma_wait3A_131 = arith.constant 0 : i32
      %dma_wait3A_132 = tpu.memref_slice %arg8[%run_scoped3A_40, %dma_wait3A, %dma_wait3A_131] : memref<2x100x128xf32, #tpu.memory_space<vmem>> -> memref<1x32x128xf32, #tpu.memory_space<vmem>>
      %dma_wait3A_133 = tpu.memref_squeeze %dma_wait3A_132 : memref<1x32x128xf32, #tpu.memory_space<vmem>> -> memref<32x128xf32, #tpu.memory_space<vmem>>
      %dma_wait3A_134 = arith.constant 0 : i32
      %dma_wait3A_135 = tpu.memref_slice %arg9[%add3A_39, %dma_wait3A_134] : memref<10112x128xf32, #tpu.memory_space<vmem_shared>> -> memref<32x128xf32, #tpu.memory_space<vmem_shared>>
      %dma_wait3A_136 = arith.constant 0 : i32
      %dma_wait3A_137 = tpu.memref_slice %arg9[%add3A_39, %dma_wait3A_136] : memref<10112x128xf32, #tpu.memory_space<vmem_shared>> -> memref<32x128xf32, #tpu.memory_space<vmem_shared>>
      %dma_wait3A_138 = arith.constant 0 : i32
      %dma_wait3A_139 = arith.constant 0 : i32
      %dma_wait3A_140 = tpu.memref_slice %arg8[%run_scoped3A_40, %dma_wait3A_138, %dma_wait3A_139] : memref<2x100x128xf32, #tpu.memory_space<vmem>> -> memref<1x32x128xf32, #tpu.memory_space<vmem>>
      %dma_wait3A_141 = tpu.memref_squeeze %dma_wait3A_140 : memref<1x32x128xf32, #tpu.memory_space<vmem>> -> memref<32x128xf32, #tpu.memory_space<vmem>>
      tpu.wait_dma2 semaphore(%run_scoped3A_118 : memref<!tpu.dma_semaphore, #tpu.memory_space<semaphore_mem>>) src(%dma_wait3A_141 : memref<32x128xf32, #tpu.memory_space<vmem>>) dst(%dma_wait3A_137 : memref<32x128xf32, #tpu.memory_space<vmem_shared>>)
      tpu.yield
    }) : () -> ()
    %barrier3A = arith.constant 0 : index
    tpu.barrier barrier_id(%barrier3A)
    %run_scoped3A_41 = arith.constant 0 : i32
    %run_scoped3A_42 = arith.constant 0 : i32
    "tpu.region"() ({
      %run_scoped3A_118 = tpu.sem_alloc : memref<!tpu.dma_semaphore, #tpu.memory_space<semaphore_mem>>
      %dma_start3A_119 = arith.constant 0 : i32
      %dma_start3A_120 = arith.constant 0 : i32
      %dma_start3A_121 = tpu.memref_slice %arg6[%run_scoped3A_42, %dma_start3A_119, %dma_start3A_120] : memref<2x20x100xi32, #tpu.memory_space<vmem>> -> memref<1x20x100xi32, #tpu.memory_space<vmem>>
      %dma_start3A_122 = tpu.memref_squeeze %dma_start3A_121 : memref<1x20x100xi32, #tpu.memory_space<vmem>> -> memref<20x100xi32, #tpu.memory_space<vmem>>
      %dma_start3A_123 = arith.constant 0 : i32
      %dma_start3A_124 = arith.constant 0 : i32
      %dma_start3A_125 = tpu.memref_slice %arg3[%add3A, %run_scoped3A_41, %dma_start3A_123, %dma_start3A_124] : memref<32x5x20x100xi32, #tpu.memory_space<hbm>> -> memref<1x1x20x100xi32, #tpu.memory_space<hbm>>
      %dma_start3A_126 = tpu.memref_squeeze %dma_start3A_125 : memref<1x1x20x100xi32, #tpu.memory_space<hbm>> -> memref<20x100xi32, #tpu.memory_space<hbm>>
      %dma_start3A_127 = arith.constant 0 : i32
      %dma_start3A_128 = arith.constant 0 : i32
      %dma_start3A_129 = tpu.memref_slice %arg6[%run_scoped3A_42, %dma_start3A_127, %dma_start3A_128] : memref<2x20x100xi32, #tpu.memory_space<vmem>> -> memref<1x20x100xi32, #tpu.memory_space<vmem>>
      %dma_start3A_130 = tpu.memref_squeeze %dma_start3A_129 : memref<1x20x100xi32, #tpu.memory_space<vmem>> -> memref<20x100xi32, #tpu.memory_space<vmem>>
      %dma_start3A_131 = arith.constant 0 : i32
      %dma_start3A_132 = arith.constant 0 : i32
      %dma_start3A_133 = tpu.memref_slice %arg3[%add3A, %run_scoped3A_41, %dma_start3A_131, %dma_start3A_132] : memref<32x5x20x100xi32, #tpu.memory_space<hbm>> -> memref<1x1x20x100xi32, #tpu.memory_space<hbm>>
      %dma_start3A_134 = tpu.memref_squeeze %dma_start3A_133 : memref<1x1x20x100xi32, #tpu.memory_space<hbm>> -> memref<20x100xi32, #tpu.memory_space<hbm>>
      tpu.enqueue_dma source(%dma_start3A_134 : memref<20x100xi32, #tpu.memory_space<hbm>>) target(%dma_start3A_130 : memref<20x100xi32, #tpu.memory_space<vmem>>) target_semaphore(%run_scoped3A_118 : memref<!tpu.dma_semaphore, #tpu.memory_space<semaphore_mem>>)
      %dma_wait3A = arith.constant 0 : i32
      %dma_wait3A_135 = arith.constant 0 : i32
      %dma_wait3A_136 = tpu.memref_slice %arg6[%run_scoped3A_42, %dma_wait3A, %dma_wait3A_135] : memref<2x20x100xi32, #tpu.memory_space<vmem>> -> memref<1x20x100xi32, #tpu.memory_space<vmem>>
      %dma_wait3A_137 = tpu.memref_squeeze %dma_wait3A_136 : memref<1x20x100xi32, #tpu.memory_space<vmem>> -> memref<20x100xi32, #tpu.memory_space<vmem>>
      %dma_wait3A_138 = arith.constant 0 : i32
      %dma_wait3A_139 = arith.constant 0 : i32
      %dma_wait3A_140 = tpu.memref_slice %arg3[%add3A, %run_scoped3A_41, %dma_wait3A_138, %dma_wait3A_139] : memref<32x5x20x100xi32, #tpu.memory_space<hbm>> -> memref<1x1x20x100xi32, #tpu.memory_space<hbm>>
      %dma_wait3A_141 = tpu.memref_squeeze %dma_wait3A_140 : memref<1x1x20x100xi32, #tpu.memory_space<hbm>> -> memref<20x100xi32, #tpu.memory_space<hbm>>
      %dma_wait3A_142 = arith.constant 0 : i32
      %dma_wait3A_143 = arith.constant 0 : i32
      %dma_wait3A_144 = tpu.memref_slice %arg6[%run_scoped3A_42, %dma_wait3A_142, %dma_wait3A_143] : memref<2x20x100xi32, #tpu.memory_space<vmem>> -> memref<1x20x100xi32, #tpu.memory_space<vmem>>
      %dma_wait3A_145 = tpu.memref_squeeze %dma_wait3A_144 : memref<1x20x100xi32, #tpu.memory_space<vmem>> -> memref<20x100xi32, #tpu.memory_space<vmem>>
      %dma_wait3A_146 = arith.constant 0 : i32
      %dma_wait3A_147 = arith.constant 0 : i32
      %dma_wait3A_148 = tpu.memref_slice %arg3[%add3A, %run_scoped3A_41, %dma_wait3A_146, %dma_wait3A_147] : memref<32x5x20x100xi32, #tpu.memory_space<hbm>> -> memref<1x1x20x100xi32, #tpu.memory_space<hbm>>
      %dma_wait3A_149 = tpu.memref_squeeze %dma_wait3A_148 : memref<1x1x20x100xi32, #tpu.memory_space<hbm>> -> memref<20x100xi32, #tpu.memory_space<hbm>>
      tpu.wait_dma2 semaphore(%run_scoped3A_118 : memref<!tpu.dma_semaphore, #tpu.memory_space<semaphore_mem>>) src(%dma_wait3A_149 : memref<20x100xi32, #tpu.memory_space<hbm>>) dst(%dma_wait3A_145 : memref<20x100xi32, #tpu.memory_space<vmem>>)
      tpu.yield
    }) : () -> ()
    %run_scoped3A_43 = arith.constant 0 : i32
    %run_scoped3A_44 = arith.constant 0 : i32
    "tpu.region"() ({
      %run_scoped3A_118 = tpu.sem_alloc : memref<!tpu.dma_semaphore, #tpu.memory_space<semaphore_mem>>
      %dma_start3A_119 = arith.constant 0 : i32
      %dma_start3A_120 = arith.constant 0 : i32
      %dma_start3A_121 = tpu.memref_slice %arg7[%run_scoped3A_44, %dma_start3A_119, %dma_start3A_120] : memref<2x20x100xi32, #tpu.memory_space<vmem>> -> memref<1x20x100xi32, #tpu.memory_space<vmem>>
      %dma_start3A_122 = tpu.memref_squeeze %dma_start3A_121 : memref<1x20x100xi32, #tpu.memory_space<vmem>> -> memref<20x100xi32, #tpu.memory_space<vmem>>
      %dma_start3A_123 = arith.constant 0 : i32
      %dma_start3A_124 = arith.constant 0 : i32
      %dma_start3A_125 = tpu.memref_slice %arg4[%add3A, %run_scoped3A_43, %dma_start3A_123, %dma_start3A_124] : memref<32x5x20x100xi32, #tpu.memory_space<hbm>> -> memref<1x1x20x100xi32, #tpu.memory_space<hbm>>
      %dma_start3A_126 = tpu.memref_squeeze %dma_start3A_125 : memref<1x1x20x100xi32, #tpu.memory_space<hbm>> -> memref<20x100xi32, #tpu.memory_space<hbm>>
      %dma_start3A_127 = arith.constant 0 : i32
      %dma_start3A_128 = arith.constant 0 : i32
      %dma_start3A_129 = tpu.memref_slice %arg7[%run_scoped3A_44, %dma_start3A_127, %dma_start3A_128] : memref<2x20x100xi32, #tpu.memory_space<vmem>> -> memref<1x20x100xi32, #tpu.memory_space<vmem>>
      %dma_start3A_130 = tpu.memref_squeeze %dma_start3A_129 : memref<1x20x100xi32, #tpu.memory_space<vmem>> -> memref<20x100xi32, #tpu.memory_space<vmem>>
      %dma_start3A_131 = arith.constant 0 : i32
      %dma_start3A_132 = arith.constant 0 : i32
      %dma_start3A_133 = tpu.memref_slice %arg4[%add3A, %run_scoped3A_43, %dma_start3A_131, %dma_start3A_132] : memref<32x5x20x100xi32, #tpu.memory_space<hbm>> -> memref<1x1x20x100xi32, #tpu.memory_space<hbm>>
      %dma_start3A_134 = tpu.memref_squeeze %dma_start3A_133 : memref<1x1x20x100xi32, #tpu.memory_space<hbm>> -> memref<20x100xi32, #tpu.memory_space<hbm>>
      tpu.enqueue_dma source(%dma_start3A_134 : memref<20x100xi32, #tpu.memory_space<hbm>>) target(%dma_start3A_130 : memref<20x100xi32, #tpu.memory_space<vmem>>) target_semaphore(%run_scoped3A_118 : memref<!tpu.dma_semaphore, #tpu.memory_space<semaphore_mem>>)
      %dma_wait3A = arith.constant 0 : i32
      %dma_wait3A_135 = arith.constant 0 : i32
      %dma_wait3A_136 = tpu.memref_slice %arg7[%run_scoped3A_44, %dma_wait3A, %dma_wait3A_135] : memref<2x20x100xi32, #tpu.memory_space<vmem>> -> memref<1x20x100xi32, #tpu.memory_space<vmem>>
      %dma_wait3A_137 = tpu.memref_squeeze %dma_wait3A_136 : memref<1x20x100xi32, #tpu.memory_space<vmem>> -> memref<20x100xi32, #tpu.memory_space<vmem>>
      %dma_wait3A_138 = arith.constant 0 : i32
      %dma_wait3A_139 = arith.constant 0 : i32
      %dma_wait3A_140 = tpu.memref_slice %arg4[%add3A, %run_scoped3A_43, %dma_wait3A_138, %dma_wait3A_139] : memref<32x5x20x100xi32, #tpu.memory_space<hbm>> -> memref<1x1x20x100xi32, #tpu.memory_space<hbm>>
      %dma_wait3A_141 = tpu.memref_squeeze %dma_wait3A_140 : memref<1x1x20x100xi32, #tpu.memory_space<hbm>> -> memref<20x100xi32, #tpu.memory_space<hbm>>
      %dma_wait3A_142 = arith.constant 0 : i32
      %dma_wait3A_143 = arith.constant 0 : i32
      %dma_wait3A_144 = tpu.memref_slice %arg7[%run_scoped3A_44, %dma_wait3A_142, %dma_wait3A_143] : memref<2x20x100xi32, #tpu.memory_space<vmem>> -> memref<1x20x100xi32, #tpu.memory_space<vmem>>
      %dma_wait3A_145 = tpu.memref_squeeze %dma_wait3A_144 : memref<1x20x100xi32, #tpu.memory_space<vmem>> -> memref<20x100xi32, #tpu.memory_space<vmem>>
      %dma_wait3A_146 = arith.constant 0 : i32
      %dma_wait3A_147 = arith.constant 0 : i32
      %dma_wait3A_148 = tpu.memref_slice %arg4[%add3A, %run_scoped3A_43, %dma_wait3A_146, %dma_wait3A_147] : memref<32x5x20x100xi32, #tpu.memory_space<hbm>> -> memref<1x1x20x100xi32, #tpu.memory_space<hbm>>
      %dma_wait3A_149 = tpu.memref_squeeze %dma_wait3A_148 : memref<1x1x20x100xi32, #tpu.memory_space<hbm>> -> memref<20x100xi32, #tpu.memory_space<hbm>>
      tpu.wait_dma2 semaphore(%run_scoped3A_118 : memref<!tpu.dma_semaphore, #tpu.memory_space<semaphore_mem>>) src(%dma_wait3A_149 : memref<20x100xi32, #tpu.memory_space<hbm>>) dst(%dma_wait3A_145 : memref<20x100xi32, #tpu.memory_space<vmem>>)
      tpu.yield
    }) : () -> ()
    %dma_start3A = arith.constant 1 : i32
    %dma_start3A_45 = arith.constant 1 : i32
    %dma_start3A_46 = arith.constant 0 : i32
    %dma_start3A_47 = arith.constant 0 : i32
    %dma_start3A_48 = tpu.memref_slice %arg6[%dma_start3A_45, %dma_start3A_46, %dma_start3A_47] : memref<2x20x100xi32, #tpu.memory_space<vmem>> -> memref<1x20x100xi32, #tpu.memory_space<vmem>>
    %dma_start3A_49 = tpu.memref_squeeze %dma_start3A_48 : memref<1x20x100xi32, #tpu.memory_space<vmem>> -> memref<20x100xi32, #tpu.memory_space<vmem>>
    %dma_start3A_50 = arith.constant 0 : i32
    %dma_start3A_51 = arith.constant 0 : i32
    %dma_start3A_52 = tpu.memref_slice %arg3[%add3A, %dma_start3A, %dma_start3A_50, %dma_start3A_51] : memref<32x5x20x100xi32, #tpu.memory_space<hbm>> -> memref<1x1x20x100xi32, #tpu.memory_space<hbm>>
    %dma_start3A_53 = tpu.memref_squeeze %dma_start3A_52 : memref<1x1x20x100xi32, #tpu.memory_space<hbm>> -> memref<20x100xi32, #tpu.memory_space<hbm>>
    %dma_start3A_54 = arith.constant 0 : i32
    %dma_start3A_55 = arith.constant 0 : i32
    %dma_start3A_56 = tpu.memref_slice %arg6[%dma_start3A_45, %dma_start3A_54, %dma_start3A_55] : memref<2x20x100xi32, #tpu.memory_space<vmem>> -> memref<1x20x100xi32, #tpu.memory_space<vmem>>
    %dma_start3A_57 = tpu.memref_squeeze %dma_start3A_56 : memref<1x20x100xi32, #tpu.memory_space<vmem>> -> memref<20x100xi32, #tpu.memory_space<vmem>>
    %dma_start3A_58 = arith.constant 0 : i32
    %dma_start3A_59 = arith.constant 0 : i32
    %dma_start3A_60 = tpu.memref_slice %arg3[%add3A, %dma_start3A, %dma_start3A_58, %dma_start3A_59] : memref<32x5x20x100xi32, #tpu.memory_space<hbm>> -> memref<1x1x20x100xi32, #tpu.memory_space<hbm>>
    %dma_start3A_61 = tpu.memref_squeeze %dma_start3A_60 : memref<1x1x20x100xi32, #tpu.memory_space<hbm>> -> memref<20x100xi32, #tpu.memory_space<hbm>>
    tpu.enqueue_dma source(%dma_start3A_61 : memref<20x100xi32, #tpu.memory_space<hbm>>) target(%dma_start3A_57 : memref<20x100xi32, #tpu.memory_space<vmem>>) target_semaphore(%arg12 : memref<!tpu.dma_semaphore, #tpu.memory_space<semaphore_mem>>)
    %dma_start3A_62 = arith.constant 1 : i32
    %dma_start3A_63 = arith.constant 1 : i32
    %dma_start3A_64 = arith.constant 0 : i32
    %dma_start3A_65 = arith.constant 0 : i32
    %dma_start3A_66 = tpu.memref_slice %arg7[%dma_start3A_63, %dma_start3A_64, %dma_start3A_65] : memref<2x20x100xi32, #tpu.memory_space<vmem>> -> memref<1x20x100xi32, #tpu.memory_space<vmem>>
    %dma_start3A_67 = tpu.memref_squeeze %dma_start3A_66 : memref<1x20x100xi32, #tpu.memory_space<vmem>> -> memref<20x100xi32, #tpu.memory_space<vmem>>
    %dma_start3A_68 = arith.constant 0 : i32
    %dma_start3A_69 = arith.constant 0 : i32
    %dma_start3A_70 = tpu.memref_slice %arg4[%add3A, %dma_start3A_62, %dma_start3A_68, %dma_start3A_69] : memref<32x5x20x100xi32, #tpu.memory_space<hbm>> -> memref<1x1x20x100xi32, #tpu.memory_space<hbm>>
    %dma_start3A_71 = tpu.memref_squeeze %dma_start3A_70 : memref<1x1x20x100xi32, #tpu.memory_space<hbm>> -> memref<20x100xi32, #tpu.memory_space<hbm>>
    %dma_start3A_72 = arith.constant 0 : i32
    %dma_start3A_73 = arith.constant 0 : i32
    %dma_start3A_74 = tpu.memref_slice %arg7[%dma_start3A_63, %dma_start3A_72, %dma_start3A_73] : memref<2x20x100xi32, #tpu.memory_space<vmem>> -> memref<1x20x100xi32, #tpu.memory_space<vmem>>
    %dma_start3A_75 = tpu.memref_squeeze %dma_start3A_74 : memref<1x20x100xi32, #tpu.memory_space<vmem>> -> memref<20x100xi32, #tpu.memory_space<vmem>>
    %dma_start3A_76 = arith.constant 0 : i32
    %dma_start3A_77 = arith.constant 0 : i32
    %dma_start3A_78 = tpu.memref_slice %arg4[%add3A, %dma_start3A_62, %dma_start3A_76, %dma_start3A_77] : memref<32x5x20x100xi32, #tpu.memory_space<hbm>> -> memref<1x1x20x100xi32, #tpu.memory_space<hbm>>
    %dma_start3A_79 = tpu.memref_squeeze %dma_start3A_78 : memref<1x1x20x100xi32, #tpu.memory_space<hbm>> -> memref<20x100xi32, #tpu.memory_space<hbm>>
    tpu.enqueue_dma source(%dma_start3A_79 : memref<20x100xi32, #tpu.memory_space<hbm>>) target(%dma_start3A_75 : memref<20x100xi32, #tpu.memory_space<vmem>>) target_semaphore(%arg13 : memref<!tpu.dma_semaphore, #tpu.memory_space<semaphore_mem>>)
    %dma_start3A_80 = arith.constant 0 : i32
    %dma_start3A_81 = arith.constant 0 : i32
    %dma_start3A_82 = arith.constant 0 : i32
    %dma_start3A_83 = arith.constant 0 : i32
    %dma_start3A_84 = arith.constant 0 : i32
    %dma_start3A_85 = tpu.memref_slice %arg8[%dma_start3A_82, %dma_start3A_83, %dma_start3A_84] : memref<2x100x128xf32, #tpu.memory_space<vmem>> -> memref<1x100x128xf32, #tpu.memory_space<vmem>>
    %dma_start3A_86 = tpu.memref_squeeze %dma_start3A_85 : memref<1x100x128xf32, #tpu.memory_space<vmem>> -> memref<100x128xf32, #tpu.memory_space<vmem>>
    %dma_start3A_87 = arith.constant 0 : i32
    %dma_start3A_88 = tpu.memref_slice %arg6[%dma_start3A_80, %dma_start3A_81, %dma_start3A_87] : memref<2x20x100xi32, #tpu.memory_space<vmem>> -> memref<1x1x100xi32, #tpu.memory_space<vmem>>
    %dma_start3A_89 = tpu.memref_squeeze %dma_start3A_88 : memref<1x1x100xi32, #tpu.memory_space<vmem>> -> memref<100xi32, #tpu.memory_space<vmem>>
    %dma_start3A_90 = arith.constant 0 : i32
    %dma_start3A_91 = arith.constant 0 : i32
    %dma_start3A_92 = tpu.memref_slice %arg2[%dma_start3A_90, %dma_start3A_91] : memref<60000x128xf32, #tpu.memory_space<hbm>> -> memref<60000x128xf32, #tpu.memory_space<hbm>>
    tpu.enqueue_indirect_dma source(%dma_start3A_92 : memref<60000x128xf32, #tpu.memory_space<hbm>>) target(%dma_start3A_86 : memref<100x128xf32, #tpu.memory_space<vmem>>) offsets(%dma_start3A_89 : memref<100xi32, #tpu.memory_space<vmem>>) semaphore(%arg10 : memref<!tpu.dma_semaphore, #tpu.memory_space<semaphore_mem>>)
    %dma_start3A_93 = arith.constant 0 : i32
    %dma_start3A_94 = arith.constant 1 : i32
    %dma_start3A_95 = arith.constant 1 : i32
    %dma_start3A_96 = arith.constant 0 : i32
    %dma_start3A_97 = arith.constant 0 : i32
    %dma_start3A_98 = tpu.memref_slice %arg8[%dma_start3A_95, %dma_start3A_96, %dma_start3A_97] : memref<2x100x128xf32, #tpu.memory_space<vmem>> -> memref<1x100x128xf32, #tpu.memory_space<vmem>>
    %dma_start3A_99 = tpu.memref_squeeze %dma_start3A_98 : memref<1x100x128xf32, #tpu.memory_space<vmem>> -> memref<100x128xf32, #tpu.memory_space<vmem>>
    %dma_start3A_100 = arith.constant 0 : i32
    %dma_start3A_101 = tpu.memref_slice %arg6[%dma_start3A_93, %dma_start3A_94, %dma_start3A_100] : memref<2x20x100xi32, #tpu.memory_space<vmem>> -> memref<1x1x100xi32, #tpu.memory_space<vmem>>
    %dma_start3A_102 = tpu.memref_squeeze %dma_start3A_101 : memref<1x1x100xi32, #tpu.memory_space<vmem>> -> memref<100xi32, #tpu.memory_space<vmem>>
    %dma_start3A_103 = arith.constant 0 : i32
    %dma_start3A_104 = arith.constant 0 : i32
    %dma_start3A_105 = tpu.memref_slice %arg2[%dma_start3A_103, %dma_start3A_104] : memref<60000x128xf32, #tpu.memory_space<hbm>> -> memref<60000x128xf32, #tpu.memory_space<hbm>>
    tpu.enqueue_indirect_dma source(%dma_start3A_105 : memref<60000x128xf32, #tpu.memory_space<hbm>>) target(%dma_start3A_99 : memref<100x128xf32, #tpu.memory_space<vmem>>) offsets(%dma_start3A_102 : memref<100xi32, #tpu.memory_space<vmem>>) semaphore(%arg11 : memref<!tpu.dma_semaphore, #tpu.memory_space<semaphore_mem>>)
    %scan3A_106 = arith.constant 0 : i32
    %scan3A_107 = arith.constant 0 : i32
    %scan3A_108 = arith.constant 5 : i32
    %scan3A_109 = arith.addi %scan3A_107, %scan3A_108 : i32
    %scan3A_110 = arith.constant 1 : i32
    %scan3A_111 = scf.for %scan3A_118 = %scan3A_107 to %scan3A_109 step %scan3A_110 iter_args(%scan3A_119 = %scan3A_106) -> (i32)  : i32 {
      %rem3A = arith.constant 2 : i32
      %rem3A_120 = arith.remsi %scan3A_118, %rem3A : i32
      %scan3A_121 = arith.constant 0 : i32
      %scan3A_122 = arith.constant 0 : i32
      %scan3A_123 = arith.constant 9 : i32
      %scan3A_124 = arith.addi %scan3A_122, %scan3A_123 : i32
      %scan3A_125 = arith.constant 1 : i32
      %scan3A_126 = scf.for %scan3A_167 = %scan3A_122 to %scan3A_124 step %scan3A_125 iter_args(%scan3A_168 = %scan3A_121) -> (i32)  : i32 {
        %mul3A_169 = arith.constant 2 : i32
        %mul3A_170 = arith.muli %scan3A_167, %mul3A_169 : i32
        %add3A_171 = arith.constant 0 : i32
        %add3A_172 = arith.addi %mul3A_170, %add3A_171 : i32
        %dma_wait3A_173 = arith.constant 0 : i32
        %dma_wait3A_174 = arith.constant 0 : i32
        %dma_wait3A_175 = arith.constant 0 : i32
        %dma_wait3A_176 = tpu.memref_slice %arg8[%dma_wait3A_173, %dma_wait3A_174, %dma_wait3A_175] : memref<2x100x128xf32, #tpu.memory_space<vmem>> -> memref<1x100x128xf32, #tpu.memory_space<vmem>>
        %dma_wait3A_177 = tpu.memref_squeeze %dma_wait3A_176 : memref<1x100x128xf32, #tpu.memory_space<vmem>> -> memref<100x128xf32, #tpu.memory_space<vmem>>
        %dma_wait3A_178 = arith.constant 0 : i32
        %dma_wait3A_179 = tpu.memref_slice %arg6[%rem3A_120, %add3A_172, %dma_wait3A_178] : memref<2x20x100xi32, #tpu.memory_space<vmem>> -> memref<1x1x100xi32, #tpu.memory_space<vmem>>
        %dma_wait3A_180 = tpu.memref_squeeze %dma_wait3A_179 : memref<1x1x100xi32, #tpu.memory_space<vmem>> -> memref<100xi32, #tpu.memory_space<vmem>>
        %dma_wait3A_181 = arith.constant 0 : i32
        %dma_wait3A_182 = arith.constant 0 : i32
        %dma_wait3A_183 = tpu.memref_slice %arg2[%dma_wait3A_181, %dma_wait3A_182] : memref<60000x128xf32, #tpu.memory_space<hbm>> -> memref<60000x128xf32, #tpu.memory_space<hbm>>
        tpu.wait_indirect_dma semaphore(%arg10 : memref<!tpu.dma_semaphore, #tpu.memory_space<semaphore_mem>>) src(%dma_wait3A_183 : memref<60000x128xf32, #tpu.memory_space<hbm>>) dst(%dma_wait3A_177 : memref<100x128xf32, #tpu.memory_space<vmem>>)
        %add3A_184 = arith.constant 0 : i32
        %add3A_185 = arith.addi %mul3A_170, %add3A_184 : i32
        %run_scoped3A_186 = arith.constant 0 : i32
        "tpu.region"() ({
          %run_scoped3A_234 = tpu.sem_alloc : memref<!tpu.dma_semaphore, #tpu.memory_space<semaphore_mem>>
          %dma_start3A_235 = arith.constant 0 : i32
          %dma_start3A_236 = arith.constant 0 : i32
          %dma_start3A_237 = tpu.memref_slice %arg8[%run_scoped3A_186, %dma_start3A_235, %dma_start3A_236] : memref<2x100x128xf32, #tpu.memory_space<vmem>> -> memref<1x100x128xf32, #tpu.memory_space<vmem>>
          %dma_start3A_238 = tpu.memref_squeeze %dma_start3A_237 : memref<1x100x128xf32, #tpu.memory_space<vmem>> -> memref<100x128xf32, #tpu.memory_space<vmem>>
          %dma_start3A_239 = arith.constant 0 : i32
          %dma_start3A_240 = tpu.memref_slice %arg7[%rem3A_120, %add3A_185, %dma_start3A_239] : memref<2x20x100xi32, #tpu.memory_space<vmem>> -> memref<1x1x100xi32, #tpu.memory_space<vmem>>
          %dma_start3A_241 = tpu.memref_squeeze %dma_start3A_240 : memref<1x1x100xi32, #tpu.memory_space<vmem>> -> memref<100xi32, #tpu.memory_space<vmem>>
          %dma_start3A_242 = arith.constant 0 : i32
          %dma_start3A_243 = arith.constant 0 : i32
          %dma_start3A_244 = tpu.memref_slice %arg9[%dma_start3A_242, %dma_start3A_243] : memref<10112x128xf32, #tpu.memory_space<vmem_shared>> -> memref<10112x128xf32, #tpu.memory_space<vmem_shared>>
          tpu.enqueue_indirect_dma source(%dma_start3A_238 : memref<100x128xf32, #tpu.memory_space<vmem>>) target(%dma_start3A_244 : memref<10112x128xf32, #tpu.memory_space<vmem_shared>>) offsets(%dma_start3A_241 : memref<100xi32, #tpu.memory_space<vmem>>) semaphore(%run_scoped3A_234 : memref<!tpu.dma_semaphore, #tpu.memory_space<semaphore_mem>>) {add = true}
          %dma_wait3A_245 = arith.constant 0 : i32
          %dma_wait3A_246 = arith.constant 0 : i32
          %dma_wait3A_247 = tpu.memref_slice %arg8[%run_scoped3A_186, %dma_wait3A_245, %dma_wait3A_246] : memref<2x100x128xf32, #tpu.memory_space<vmem>> -> memref<1x100x128xf32, #tpu.memory_space<vmem>>
          %dma_wait3A_248 = tpu.memref_squeeze %dma_wait3A_247 : memref<1x100x128xf32, #tpu.memory_space<vmem>> -> memref<100x128xf32, #tpu.memory_space<vmem>>
          %dma_wait3A_249 = arith.constant 0 : i32
          %dma_wait3A_250 = tpu.memref_slice %arg7[%rem3A_120, %add3A_185, %dma_wait3A_249] : memref<2x20x100xi32, #tpu.memory_space<vmem>> -> memref<1x1x100xi32, #tpu.memory_space<vmem>>
          %dma_wait3A_251 = tpu.memref_squeeze %dma_wait3A_250 : memref<1x1x100xi32, #tpu.memory_space<vmem>> -> memref<100xi32, #tpu.memory_space<vmem>>
          %dma_wait3A_252 = arith.constant 0 : i32
          %dma_wait3A_253 = arith.constant 0 : i32
          %dma_wait3A_254 = tpu.memref_slice %arg9[%dma_wait3A_252, %dma_wait3A_253] : memref<10112x128xf32, #tpu.memory_space<vmem_shared>> -> memref<10112x128xf32, #tpu.memory_space<vmem_shared>>
          tpu.wait_indirect_dma semaphore(%run_scoped3A_234 : memref<!tpu.dma_semaphore, #tpu.memory_space<semaphore_mem>>) src(%dma_wait3A_248 : memref<100x128xf32, #tpu.memory_space<vmem>>) dst(%dma_wait3A_254 : memref<10112x128xf32, #tpu.memory_space<vmem_shared>>)
          tpu.yield
        }) : () -> ()
        %add3A_187 = arith.constant 2 : i32
        %add3A_188 = arith.addi %mul3A_170, %add3A_187 : i32
        %add3A_189 = arith.constant 0 : i32
        %add3A_190 = arith.addi %add3A_188, %add3A_189 : i32
        %dma_start3A_191 = arith.constant 0 : i32
        %dma_start3A_192 = arith.constant 0 : i32
        %dma_start3A_193 = arith.constant 0 : i32
        %dma_start3A_194 = tpu.memref_slice %arg8[%dma_start3A_191, %dma_start3A_192, %dma_start3A_193] : memref<2x100x128xf32, #tpu.memory_space<vmem>> -> memref<1x100x128xf32, #tpu.memory_space<vmem>>
        %dma_start3A_195 = tpu.memref_squeeze %dma_start3A_194 : memref<1x100x128xf32, #tpu.memory_space<vmem>> -> memref<100x128xf32, #tpu.memory_space<vmem>>
        %dma_start3A_196 = arith.constant 0 : i32
        %dma_start3A_197 = tpu.memref_slice %arg6[%rem3A_120, %add3A_190, %dma_start3A_196] : memref<2x20x100xi32, #tpu.memory_space<vmem>> -> memref<1x1x100xi32, #tpu.memory_space<vmem>>
        %dma_start3A_198 = tpu.memref_squeeze %dma_start3A_197 : memref<1x1x100xi32, #tpu.memory_space<vmem>> -> memref<100xi32, #tpu.memory_space<vmem>>
        %dma_start3A_199 = arith.constant 0 : i32
        %dma_start3A_200 = arith.constant 0 : i32
        %dma_start3A_201 = tpu.memref_slice %arg2[%dma_start3A_199, %dma_start3A_200] : memref<60000x128xf32, #tpu.memory_space<hbm>> -> memref<60000x128xf32, #tpu.memory_space<hbm>>
        tpu.enqueue_indirect_dma source(%dma_start3A_201 : memref<60000x128xf32, #tpu.memory_space<hbm>>) target(%dma_start3A_195 : memref<100x128xf32, #tpu.memory_space<vmem>>) offsets(%dma_start3A_198 : memref<100xi32, #tpu.memory_space<vmem>>) semaphore(%arg10 : memref<!tpu.dma_semaphore, #tpu.memory_space<semaphore_mem>>)
        %add3A_202 = arith.constant 1 : i32
        %add3A_203 = arith.addi %mul3A_170, %add3A_202 : i32
        %dma_wait3A_204 = arith.constant 1 : i32
        %dma_wait3A_205 = arith.constant 0 : i32
        %dma_wait3A_206 = arith.constant 0 : i32
        %dma_wait3A_207 = tpu.memref_slice %arg8[%dma_wait3A_204, %dma_wait3A_205, %dma_wait3A_206] : memref<2x100x128xf32, #tpu.memory_space<vmem>> -> memref<1x100x128xf32, #tpu.memory_space<vmem>>
        %dma_wait3A_208 = tpu.memref_squeeze %dma_wait3A_207 : memref<1x100x128xf32, #tpu.memory_space<vmem>> -> memref<100x128xf32, #tpu.memory_space<vmem>>
        %dma_wait3A_209 = arith.constant 0 : i32
        %dma_wait3A_210 = tpu.memref_slice %arg6[%rem3A_120, %add3A_203, %dma_wait3A_209] : memref<2x20x100xi32, #tpu.memory_space<vmem>> -> memref<1x1x100xi32, #tpu.memory_space<vmem>>
        %dma_wait3A_211 = tpu.memref_squeeze %dma_wait3A_210 : memref<1x1x100xi32, #tpu.memory_space<vmem>> -> memref<100xi32, #tpu.memory_space<vmem>>
        %dma_wait3A_212 = arith.constant 0 : i32
        %dma_wait3A_213 = arith.constant 0 : i32
        %dma_wait3A_214 = tpu.memref_slice %arg2[%dma_wait3A_212, %dma_wait3A_213] : memref<60000x128xf32, #tpu.memory_space<hbm>> -> memref<60000x128xf32, #tpu.memory_space<hbm>>
        tpu.wait_indirect_dma semaphore(%arg11 : memref<!tpu.dma_semaphore, #tpu.memory_space<semaphore_mem>>) src(%dma_wait3A_214 : memref<60000x128xf32, #tpu.memory_space<hbm>>) dst(%dma_wait3A_208 : memref<100x128xf32, #tpu.memory_space<vmem>>)
        %add3A_215 = arith.constant 1 : i32
        %add3A_216 = arith.addi %mul3A_170, %add3A_215 : i32
        %run_scoped3A_217 = arith.constant 1 : i32
        "tpu.region"() ({
          %run_scoped3A_234 = tpu.sem_alloc : memref<!tpu.dma_semaphore, #tpu.memory_space<semaphore_mem>>
          %dma_start3A_235 = arith.constant 0 : i32
          %dma_start3A_236 = arith.constant 0 : i32
          %dma_start3A_237 = tpu.memref_slice %arg8[%run_scoped3A_217, %dma_start3A_235, %dma_start3A_236] : memref<2x100x128xf32, #tpu.memory_space<vmem>> -> memref<1x100x128xf32, #tpu.memory_space<vmem>>
          %dma_start3A_238 = tpu.memref_squeeze %dma_start3A_237 : memref<1x100x128xf32, #tpu.memory_space<vmem>> -> memref<100x128xf32, #tpu.memory_space<vmem>>
          %dma_start3A_239 = arith.constant 0 : i32
          %dma_start3A_240 = tpu.memref_slice %arg7[%rem3A_120, %add3A_216, %dma_start3A_239] : memref<2x20x100xi32, #tpu.memory_space<vmem>> -> memref<1x1x100xi32, #tpu.memory_space<vmem>>
          %dma_start3A_241 = tpu.memref_squeeze %dma_start3A_240 : memref<1x1x100xi32, #tpu.memory_space<vmem>> -> memref<100xi32, #tpu.memory_space<vmem>>
          %dma_start3A_242 = arith.constant 0 : i32
          %dma_start3A_243 = arith.constant 0 : i32
          %dma_start3A_244 = tpu.memref_slice %arg9[%dma_start3A_242, %dma_start3A_243] : memref<10112x128xf32, #tpu.memory_space<vmem_shared>> -> memref<10112x128xf32, #tpu.memory_space<vmem_shared>>
          tpu.enqueue_indirect_dma source(%dma_start3A_238 : memref<100x128xf32, #tpu.memory_space<vmem>>) target(%dma_start3A_244 : memref<10112x128xf32, #tpu.memory_space<vmem_shared>>) offsets(%dma_start3A_241 : memref<100xi32, #tpu.memory_space<vmem>>) semaphore(%run_scoped3A_234 : memref<!tpu.dma_semaphore, #tpu.memory_space<semaphore_mem>>) {add = true}
          %dma_wait3A_245 = arith.constant 0 : i32
          %dma_wait3A_246 = arith.constant 0 : i32
          %dma_wait3A_247 = tpu.memref_slice %arg8[%run_scoped3A_217, %dma_wait3A_245, %dma_wait3A_246] : memref<2x100x128xf32, #tpu.memory_space<vmem>> -> memref<1x100x128xf32, #tpu.memory_space<vmem>>
          %dma_wait3A_248 = tpu.memref_squeeze %dma_wait3A_247 : memref<1x100x128xf32, #tpu.memory_space<vmem>> -> memref<100x128xf32, #tpu.memory_space<vmem>>
          %dma_wait3A_249 = arith.constant 0 : i32
          %dma_wait3A_250 = tpu.memref_slice %arg7[%rem3A_120, %add3A_216, %dma_wait3A_249] : memref<2x20x100xi32, #tpu.memory_space<vmem>> -> memref<1x1x100xi32, #tpu.memory_space<vmem>>
          %dma_wait3A_251 = tpu.memref_squeeze %dma_wait3A_250 : memref<1x1x100xi32, #tpu.memory_space<vmem>> -> memref<100xi32, #tpu.memory_space<vmem>>
          %dma_wait3A_252 = arith.constant 0 : i32
          %dma_wait3A_253 = arith.constant 0 : i32
          %dma_wait3A_254 = tpu.memref_slice %arg9[%dma_wait3A_252, %dma_wait3A_253] : memref<10112x128xf32, #tpu.memory_space<vmem_shared>> -> memref<10112x128xf32, #tpu.memory_space<vmem_shared>>
          tpu.wait_indirect_dma semaphore(%run_scoped3A_234 : memref<!tpu.dma_semaphore, #tpu.memory_space<semaphore_mem>>) src(%dma_wait3A_248 : memref<100x128xf32, #tpu.memory_space<vmem>>) dst(%dma_wait3A_254 : memref<10112x128xf32, #tpu.memory_space<vmem_shared>>)
          tpu.yield
        }) : () -> ()
        %add3A_218 = arith.constant 2 : i32
        %add3A_219 = arith.addi %mul3A_170, %add3A_218 : i32
        %add3A_220 = arith.constant 1 : i32
        %add3A_221 = arith.addi %add3A_219, %add3A_220 : i32
        %dma_start3A_222 = arith.constant 1 : i32
        %dma_start3A_223 = arith.constant 0 : i32
        %dma_start3A_224 = arith.constant 0 : i32
        %dma_start3A_225 = tpu.memref_slice %arg8[%dma_start3A_222, %dma_start3A_223, %dma_start3A_224] : memref<2x100x128xf32, #tpu.memory_space<vmem>> -> memref<1x100x128xf32, #tpu.memory_space<vmem>>
        %dma_start3A_226 = tpu.memref_squeeze %dma_start3A_225 : memref<1x100x128xf32, #tpu.memory_space<vmem>> -> memref<100x128xf32, #tpu.memory_space<vmem>>
        %dma_start3A_227 = arith.constant 0 : i32
        %dma_start3A_228 = tpu.memref_slice %arg6[%rem3A_120, %add3A_221, %dma_start3A_227] : memref<2x20x100xi32, #tpu.memory_space<vmem>> -> memref<1x1x100xi32, #tpu.memory_space<vmem>>
        %dma_start3A_229 = tpu.memref_squeeze %dma_start3A_228 : memref<1x1x100xi32, #tpu.memory_space<vmem>> -> memref<100xi32, #tpu.memory_space<vmem>>
        %dma_start3A_230 = arith.constant 0 : i32
        %dma_start3A_231 = arith.constant 0 : i32
        %dma_start3A_232 = tpu.memref_slice %arg2[%dma_start3A_230, %dma_start3A_231] : memref<60000x128xf32, #tpu.memory_space<hbm>> -> memref<60000x128xf32, #tpu.memory_space<hbm>>
        tpu.enqueue_indirect_dma source(%dma_start3A_232 : memref<60000x128xf32, #tpu.memory_space<hbm>>) target(%dma_start3A_226 : memref<100x128xf32, #tpu.memory_space<vmem>>) offsets(%dma_start3A_229 : memref<100xi32, #tpu.memory_space<vmem>>) semaphore(%arg11 : memref<!tpu.dma_semaphore, #tpu.memory_space<semaphore_mem>>)
        %scan3A_233 = arith.constant 0 : i32
        scf.yield %scan3A_233 : i32
      }
      %scan3A_127 = arith.constant 9 : i32
      %dma_wait3A = arith.constant 18 : i32
      %dma_wait3A_128 = arith.constant 0 : i32
      %dma_wait3A_129 = arith.constant 0 : i32
      %dma_wait3A_130 = arith.constant 0 : i32
      %dma_wait3A_131 = tpu.memref_slice %arg8[%dma_wait3A_128, %dma_wait3A_129, %dma_wait3A_130] : memref<2x100x128xf32, #tpu.memory_space<vmem>> -> memref<1x100x128xf32, #tpu.memory_space<vmem>>
      %dma_wait3A_132 = tpu.memref_squeeze %dma_wait3A_131 : memref<1x100x128xf32, #tpu.memory_space<vmem>> -> memref<100x128xf32, #tpu.memory_space<vmem>>
      %dma_wait3A_133 = arith.constant 0 : i32
      %dma_wait3A_134 = tpu.memref_slice %arg6[%rem3A_120, %dma_wait3A, %dma_wait3A_133] : memref<2x20x100xi32, #tpu.memory_space<vmem>> -> memref<1x1x100xi32, #tpu.memory_space<vmem>>
      %dma_wait3A_135 = tpu.memref_squeeze %dma_wait3A_134 : memref<1x1x100xi32, #tpu.memory_space<vmem>> -> memref<100xi32, #tpu.memory_space<vmem>>
      %dma_wait3A_136 = arith.constant 0 : i32
      %dma_wait3A_137 = arith.constant 0 : i32
      %dma_wait3A_138 = tpu.memref_slice %arg2[%dma_wait3A_136, %dma_wait3A_137] : memref<60000x128xf32, #tpu.memory_space<hbm>> -> memref<60000x128xf32, #tpu.memory_space<hbm>>
      tpu.wait_indirect_dma semaphore(%arg10 : memref<!tpu.dma_semaphore, #tpu.memory_space<semaphore_mem>>) src(%dma_wait3A_138 : memref<60000x128xf32, #tpu.memory_space<hbm>>) dst(%dma_wait3A_132 : memref<100x128xf32, #tpu.memory_space<vmem>>)
      %run_scoped3A_139 = arith.constant 0 : i32
      %run_scoped3A_140 = arith.constant 18 : i32
      "tpu.region"() ({
        %run_scoped3A_167 = tpu.sem_alloc : memref<!tpu.dma_semaphore, #tpu.memory_space<semaphore_mem>>
        %dma_start3A_168 = arith.constant 0 : i32
        %dma_start3A_169 = arith.constant 0 : i32
        %dma_start3A_170 = tpu.memref_slice %arg8[%run_scoped3A_139, %dma_start3A_168, %dma_start3A_169] : memref<2x100x128xf32, #tpu.memory_space<vmem>> -> memref<1x100x128xf32, #tpu.memory_space<vmem>>
        %dma_start3A_171 = tpu.memref_squeeze %dma_start3A_170 : memref<1x100x128xf32, #tpu.memory_space<vmem>> -> memref<100x128xf32, #tpu.memory_space<vmem>>
        %dma_start3A_172 = arith.constant 0 : i32
        %dma_start3A_173 = tpu.memref_slice %arg7[%rem3A_120, %run_scoped3A_140, %dma_start3A_172] : memref<2x20x100xi32, #tpu.memory_space<vmem>> -> memref<1x1x100xi32, #tpu.memory_space<vmem>>
        %dma_start3A_174 = tpu.memref_squeeze %dma_start3A_173 : memref<1x1x100xi32, #tpu.memory_space<vmem>> -> memref<100xi32, #tpu.memory_space<vmem>>
        %dma_start3A_175 = arith.constant 0 : i32
        %dma_start3A_176 = arith.constant 0 : i32
        %dma_start3A_177 = tpu.memref_slice %arg9[%dma_start3A_175, %dma_start3A_176] : memref<10112x128xf32, #tpu.memory_space<vmem_shared>> -> memref<10112x128xf32, #tpu.memory_space<vmem_shared>>
        tpu.enqueue_indirect_dma source(%dma_start3A_171 : memref<100x128xf32, #tpu.memory_space<vmem>>) target(%dma_start3A_177 : memref<10112x128xf32, #tpu.memory_space<vmem_shared>>) offsets(%dma_start3A_174 : memref<100xi32, #tpu.memory_space<vmem>>) semaphore(%run_scoped3A_167 : memref<!tpu.dma_semaphore, #tpu.memory_space<semaphore_mem>>) {add = true}
        %dma_wait3A_178 = arith.constant 0 : i32
        %dma_wait3A_179 = arith.constant 0 : i32
        %dma_wait3A_180 = tpu.memref_slice %arg8[%run_scoped3A_139, %dma_wait3A_178, %dma_wait3A_179] : memref<2x100x128xf32, #tpu.memory_space<vmem>> -> memref<1x100x128xf32, #tpu.memory_space<vmem>>
        %dma_wait3A_181 = tpu.memref_squeeze %dma_wait3A_180 : memref<1x100x128xf32, #tpu.memory_space<vmem>> -> memref<100x128xf32, #tpu.memory_space<vmem>>
        %dma_wait3A_182 = arith.constant 0 : i32
        %dma_wait3A_183 = tpu.memref_slice %arg7[%rem3A_120, %run_scoped3A_140, %dma_wait3A_182] : memref<2x20x100xi32, #tpu.memory_space<vmem>> -> memref<1x1x100xi32, #tpu.memory_space<vmem>>
        %dma_wait3A_184 = tpu.memref_squeeze %dma_wait3A_183 : memref<1x1x100xi32, #tpu.memory_space<vmem>> -> memref<100xi32, #tpu.memory_space<vmem>>
        %dma_wait3A_185 = arith.constant 0 : i32
        %dma_wait3A_186 = arith.constant 0 : i32
        %dma_wait3A_187 = tpu.memref_slice %arg9[%dma_wait3A_185, %dma_wait3A_186] : memref<10112x128xf32, #tpu.memory_space<vmem_shared>> -> memref<10112x128xf32, #tpu.memory_space<vmem_shared>>
        tpu.wait_indirect_dma semaphore(%run_scoped3A_167 : memref<!tpu.dma_semaphore, #tpu.memory_space<semaphore_mem>>) src(%dma_wait3A_181 : memref<100x128xf32, #tpu.memory_space<vmem>>) dst(%dma_wait3A_187 : memref<10112x128xf32, #tpu.memory_space<vmem_shared>>)
        tpu.yield
      }) : () -> ()
      %dma_wait3A_141 = arith.constant 19 : i32
      %dma_wait3A_142 = arith.constant 1 : i32
      %dma_wait3A_143 = arith.constant 0 : i32
      %dma_wait3A_144 = arith.constant 0 : i32
      %dma_wait3A_145 = tpu.memref_slice %arg8[%dma_wait3A_142, %dma_wait3A_143, %dma_wait3A_144] : memref<2x100x128xf32, #tpu.memory_space<vmem>> -> memref<1x100x128xf32, #tpu.memory_space<vmem>>
      %dma_wait3A_146 = tpu.memref_squeeze %dma_wait3A_145 : memref<1x100x128xf32, #tpu.memory_space<vmem>> -> memref<100x128xf32, #tpu.memory_space<vmem>>
      %dma_wait3A_147 = arith.constant 0 : i32
      %dma_wait3A_148 = tpu.memref_slice %arg6[%rem3A_120, %dma_wait3A_141, %dma_wait3A_147] : memref<2x20x100xi32, #tpu.memory_space<vmem>> -> memref<1x1x100xi32, #tpu.memory_space<vmem>>
      %dma_wait3A_149 = tpu.memref_squeeze %dma_wait3A_148 : memref<1x1x100xi32, #tpu.memory_space<vmem>> -> memref<100xi32, #tpu.memory_space<vmem>>
      %dma_wait3A_150 = arith.constant 0 : i32
      %dma_wait3A_151 = arith.constant 0 : i32
      %dma_wait3A_152 = tpu.memref_slice %arg2[%dma_wait3A_150, %dma_wait3A_151] : memref<60000x128xf32, #tpu.memory_space<hbm>> -> memref<60000x128xf32, #tpu.memory_space<hbm>>
      tpu.wait_indirect_dma semaphore(%arg11 : memref<!tpu.dma_semaphore, #tpu.memory_space<semaphore_mem>>) src(%dma_wait3A_152 : memref<60000x128xf32, #tpu.memory_space<hbm>>) dst(%dma_wait3A_146 : memref<100x128xf32, #tpu.memory_space<vmem>>)
      %run_scoped3A_153 = arith.constant 1 : i32
      %run_scoped3A_154 = arith.constant 19 : i32
      "tpu.region"() ({
        %run_scoped3A_167 = tpu.sem_alloc : memref<!tpu.dma_semaphore, #tpu.memory_space<semaphore_mem>>
        %dma_start3A_168 = arith.constant 0 : i32
        %dma_start3A_169 = arith.constant 0 : i32
        %dma_start3A_170 = tpu.memref_slice %arg8[%run_scoped3A_153, %dma_start3A_168, %dma_start3A_169] : memref<2x100x128xf32, #tpu.memory_space<vmem>> -> memref<1x100x128xf32, #tpu.memory_space<vmem>>
        %dma_start3A_171 = tpu.memref_squeeze %dma_start3A_170 : memref<1x100x128xf32, #tpu.memory_space<vmem>> -> memref<100x128xf32, #tpu.memory_space<vmem>>
        %dma_start3A_172 = arith.constant 0 : i32
        %dma_start3A_173 = tpu.memref_slice %arg7[%rem3A_120, %run_scoped3A_154, %dma_start3A_172] : memref<2x20x100xi32, #tpu.memory_space<vmem>> -> memref<1x1x100xi32, #tpu.memory_space<vmem>>
        %dma_start3A_174 = tpu.memref_squeeze %dma_start3A_173 : memref<1x1x100xi32, #tpu.memory_space<vmem>> -> memref<100xi32, #tpu.memory_space<vmem>>
        %dma_start3A_175 = arith.constant 0 : i32
        %dma_start3A_176 = arith.constant 0 : i32
        %dma_start3A_177 = tpu.memref_slice %arg9[%dma_start3A_175, %dma_start3A_176] : memref<10112x128xf32, #tpu.memory_space<vmem_shared>> -> memref<10112x128xf32, #tpu.memory_space<vmem_shared>>
        tpu.enqueue_indirect_dma source(%dma_start3A_171 : memref<100x128xf32, #tpu.memory_space<vmem>>) target(%dma_start3A_177 : memref<10112x128xf32, #tpu.memory_space<vmem_shared>>) offsets(%dma_start3A_174 : memref<100xi32, #tpu.memory_space<vmem>>) semaphore(%run_scoped3A_167 : memref<!tpu.dma_semaphore, #tpu.memory_space<semaphore_mem>>) {add = true}
        %dma_wait3A_178 = arith.constant 0 : i32
        %dma_wait3A_179 = arith.constant 0 : i32
        %dma_wait3A_180 = tpu.memref_slice %arg8[%run_scoped3A_153, %dma_wait3A_178, %dma_wait3A_179] : memref<2x100x128xf32, #tpu.memory_space<vmem>> -> memref<1x100x128xf32, #tpu.memory_space<vmem>>
        %dma_wait3A_181 = tpu.memref_squeeze %dma_wait3A_180 : memref<1x100x128xf32, #tpu.memory_space<vmem>> -> memref<100x128xf32, #tpu.memory_space<vmem>>
        %dma_wait3A_182 = arith.constant 0 : i32
        %dma_wait3A_183 = tpu.memref_slice %arg7[%rem3A_120, %run_scoped3A_154, %dma_wait3A_182] : memref<2x20x100xi32, #tpu.memory_space<vmem>> -> memref<1x1x100xi32, #tpu.memory_space<vmem>>
        %dma_wait3A_184 = tpu.memref_squeeze %dma_wait3A_183 : memref<1x1x100xi32, #tpu.memory_space<vmem>> -> memref<100xi32, #tpu.memory_space<vmem>>
        %dma_wait3A_185 = arith.constant 0 : i32
        %dma_wait3A_186 = arith.constant 0 : i32
        %dma_wait3A_187 = tpu.memref_slice %arg9[%dma_wait3A_185, %dma_wait3A_186] : memref<10112x128xf32, #tpu.memory_space<vmem_shared>> -> memref<10112x128xf32, #tpu.memory_space<vmem_shared>>
        tpu.wait_indirect_dma semaphore(%run_scoped3A_167 : memref<!tpu.dma_semaphore, #tpu.memory_space<semaphore_mem>>) src(%dma_wait3A_181 : memref<100x128xf32, #tpu.memory_space<vmem>>) dst(%dma_wait3A_187 : memref<10112x128xf32, #tpu.memory_space<vmem_shared>>)
        tpu.yield
      }) : () -> ()
      %add3A_155 = arith.constant 1 : i32
      %add3A_156 = arith.addi %scan3A_118, %add3A_155 : i32
      %lt3A = arith.constant 5 : i32
      %lt3A_157 = arith.cmpi slt, %add3A_156, %lt3A : i32
      %convert_element_type3A = arith.extui %lt3A_157 : i1 to i32
      %cond3A = arith.constant 0 : i32
      %cond3A_158 = arith.cmpi ne, %convert_element_type3A, %cond3A : i32
      scf.if %cond3A_158 {
        %dma_wait3A_167 = arith.constant 0 : i32
        %dma_wait3A_168 = arith.constant 0 : i32
        %dma_wait3A_169 = arith.constant 0 : i32
        %dma_wait3A_170 = arith.constant 0 : i32
        %dma_wait3A_171 = tpu.memref_slice %arg6[%dma_wait3A_168, %dma_wait3A_169, %dma_wait3A_170] : memref<2x20x100xi32, #tpu.memory_space<vmem>> -> memref<1x20x100xi32, #tpu.memory_space<vmem>>
        %dma_wait3A_172 = tpu.memref_squeeze %dma_wait3A_171 : memref<1x20x100xi32, #tpu.memory_space<vmem>> -> memref<20x100xi32, #tpu.memory_space<vmem>>
        %dma_wait3A_173 = arith.constant 0 : i32
        %dma_wait3A_174 = arith.constant 0 : i32
        %dma_wait3A_175 = tpu.memref_slice %arg3[%add3A, %dma_wait3A_167, %dma_wait3A_173, %dma_wait3A_174] : memref<32x5x20x100xi32, #tpu.memory_space<hbm>> -> memref<1x1x20x100xi32, #tpu.memory_space<hbm>>
        %dma_wait3A_176 = tpu.memref_squeeze %dma_wait3A_175 : memref<1x1x20x100xi32, #tpu.memory_space<hbm>> -> memref<20x100xi32, #tpu.memory_space<hbm>>
        %dma_wait3A_177 = arith.constant 0 : i32
        %dma_wait3A_178 = arith.constant 0 : i32
        %dma_wait3A_179 = tpu.memref_slice %arg6[%dma_wait3A_168, %dma_wait3A_177, %dma_wait3A_178] : memref<2x20x100xi32, #tpu.memory_space<vmem>> -> memref<1x20x100xi32, #tpu.memory_space<vmem>>
        %dma_wait3A_180 = tpu.memref_squeeze %dma_wait3A_179 : memref<1x20x100xi32, #tpu.memory_space<vmem>> -> memref<20x100xi32, #tpu.memory_space<vmem>>
        %dma_wait3A_181 = arith.constant 0 : i32
        %dma_wait3A_182 = arith.constant 0 : i32
        %dma_wait3A_183 = tpu.memref_slice %arg3[%add3A, %dma_wait3A_167, %dma_wait3A_181, %dma_wait3A_182] : memref<32x5x20x100xi32, #tpu.memory_space<hbm>> -> memref<1x1x20x100xi32, #tpu.memory_space<hbm>>
        %dma_wait3A_184 = tpu.memref_squeeze %dma_wait3A_183 : memref<1x1x20x100xi32, #tpu.memory_space<hbm>> -> memref<20x100xi32, #tpu.memory_space<hbm>>
        tpu.wait_dma2 semaphore(%arg12 : memref<!tpu.dma_semaphore, #tpu.memory_space<semaphore_mem>>) src(%dma_wait3A_184 : memref<20x100xi32, #tpu.memory_space<hbm>>) dst(%dma_wait3A_180 : memref<20x100xi32, #tpu.memory_space<vmem>>)
        %dma_wait3A_185 = arith.constant 0 : i32
        %dma_wait3A_186 = arith.constant 0 : i32
        %dma_wait3A_187 = arith.constant 0 : i32
        %dma_wait3A_188 = arith.constant 0 : i32
        %dma_wait3A_189 = tpu.memref_slice %arg7[%dma_wait3A_186, %dma_wait3A_187, %dma_wait3A_188] : memref<2x20x100xi32, #tpu.memory_space<vmem>> -> memref<1x20x100xi32, #tpu.memory_space<vmem>>
        %dma_wait3A_190 = tpu.memref_squeeze %dma_wait3A_189 : memref<1x20x100xi32, #tpu.memory_space<vmem>> -> memref<20x100xi32, #tpu.memory_space<vmem>>
        %dma_wait3A_191 = arith.constant 0 : i32
        %dma_wait3A_192 = arith.constant 0 : i32
        %dma_wait3A_193 = tpu.memref_slice %arg4[%add3A, %dma_wait3A_185, %dma_wait3A_191, %dma_wait3A_192] : memref<32x5x20x100xi32, #tpu.memory_space<hbm>> -> memref<1x1x20x100xi32, #tpu.memory_space<hbm>>
        %dma_wait3A_194 = tpu.memref_squeeze %dma_wait3A_193 : memref<1x1x20x100xi32, #tpu.memory_space<hbm>> -> memref<20x100xi32, #tpu.memory_space<hbm>>
        %dma_wait3A_195 = arith.constant 0 : i32
        %dma_wait3A_196 = arith.constant 0 : i32
        %dma_wait3A_197 = tpu.memref_slice %arg7[%dma_wait3A_186, %dma_wait3A_195, %dma_wait3A_196] : memref<2x20x100xi32, #tpu.memory_space<vmem>> -> memref<1x20x100xi32, #tpu.memory_space<vmem>>
        %dma_wait3A_198 = tpu.memref_squeeze %dma_wait3A_197 : memref<1x20x100xi32, #tpu.memory_space<vmem>> -> memref<20x100xi32, #tpu.memory_space<vmem>>
        %dma_wait3A_199 = arith.constant 0 : i32
        %dma_wait3A_200 = arith.constant 0 : i32
        %dma_wait3A_201 = tpu.memref_slice %arg4[%add3A, %dma_wait3A_185, %dma_wait3A_199, %dma_wait3A_200] : memref<32x5x20x100xi32, #tpu.memory_space<hbm>> -> memref<1x1x20x100xi32, #tpu.memory_space<hbm>>
        %dma_wait3A_202 = tpu.memref_squeeze %dma_wait3A_201 : memref<1x1x20x100xi32, #tpu.memory_space<hbm>> -> memref<20x100xi32, #tpu.memory_space<hbm>>
        tpu.wait_dma2 semaphore(%arg13 : memref<!tpu.dma_semaphore, #tpu.memory_space<semaphore_mem>>) src(%dma_wait3A_202 : memref<20x100xi32, #tpu.memory_space<hbm>>) dst(%dma_wait3A_198 : memref<20x100xi32, #tpu.memory_space<vmem>>)
        %sub3A = arith.constant 1 : i32
        %sub3A_203 = arith.subi %sub3A, %rem3A_120 : i32
        %dma_start3A_204 = arith.constant 0 : i32
        %dma_start3A_205 = arith.constant 0 : i32
        %dma_start3A_206 = arith.constant 0 : i32
        %dma_start3A_207 = arith.constant 0 : i32
        %dma_start3A_208 = tpu.memref_slice %arg8[%dma_start3A_205, %dma_start3A_206, %dma_start3A_207] : memref<2x100x128xf32, #tpu.memory_space<vmem>> -> memref<1x100x128xf32, #tpu.memory_space<vmem>>
        %dma_start3A_209 = tpu.memref_squeeze %dma_start3A_208 : memref<1x100x128xf32, #tpu.memory_space<vmem>> -> memref<100x128xf32, #tpu.memory_space<vmem>>
        %dma_start3A_210 = arith.constant 0 : i32
        %dma_start3A_211 = tpu.memref_slice %arg6[%sub3A_203, %dma_start3A_204, %dma_start3A_210] : memref<2x20x100xi32, #tpu.memory_space<vmem>> -> memref<1x1x100xi32, #tpu.memory_space<vmem>>
        %dma_start3A_212 = tpu.memref_squeeze %dma_start3A_211 : memref<1x1x100xi32, #tpu.memory_space<vmem>> -> memref<100xi32, #tpu.memory_space<vmem>>
        %dma_start3A_213 = arith.constant 0 : i32
        %dma_start3A_214 = arith.constant 0 : i32
        %dma_start3A_215 = tpu.memref_slice %arg2[%dma_start3A_213, %dma_start3A_214] : memref<60000x128xf32, #tpu.memory_space<hbm>> -> memref<60000x128xf32, #tpu.memory_space<hbm>>
        tpu.enqueue_indirect_dma source(%dma_start3A_215 : memref<60000x128xf32, #tpu.memory_space<hbm>>) target(%dma_start3A_209 : memref<100x128xf32, #tpu.memory_space<vmem>>) offsets(%dma_start3A_212 : memref<100xi32, #tpu.memory_space<vmem>>) semaphore(%arg10 : memref<!tpu.dma_semaphore, #tpu.memory_space<semaphore_mem>>)
        %sub3A_216 = arith.constant 1 : i32
        %sub3A_217 = arith.subi %sub3A_216, %rem3A_120 : i32
        %dma_start3A_218 = arith.constant 1 : i32
        %dma_start3A_219 = arith.constant 1 : i32
        %dma_start3A_220 = arith.constant 0 : i32
        %dma_start3A_221 = arith.constant 0 : i32
        %dma_start3A_222 = tpu.memref_slice %arg8[%dma_start3A_219, %dma_start3A_220, %dma_start3A_221] : memref<2x100x128xf32, #tpu.memory_space<vmem>> -> memref<1x100x128xf32, #tpu.memory_space<vmem>>
        %dma_start3A_223 = tpu.memref_squeeze %dma_start3A_222 : memref<1x100x128xf32, #tpu.memory_space<vmem>> -> memref<100x128xf32, #tpu.memory_space<vmem>>
        %dma_start3A_224 = arith.constant 0 : i32
        %dma_start3A_225 = tpu.memref_slice %arg6[%sub3A_217, %dma_start3A_218, %dma_start3A_224] : memref<2x20x100xi32, #tpu.memory_space<vmem>> -> memref<1x1x100xi32, #tpu.memory_space<vmem>>
        %dma_start3A_226 = tpu.memref_squeeze %dma_start3A_225 : memref<1x1x100xi32, #tpu.memory_space<vmem>> -> memref<100xi32, #tpu.memory_space<vmem>>
        %dma_start3A_227 = arith.constant 0 : i32
        %dma_start3A_228 = arith.constant 0 : i32
        %dma_start3A_229 = tpu.memref_slice %arg2[%dma_start3A_227, %dma_start3A_228] : memref<60000x128xf32, #tpu.memory_space<hbm>> -> memref<60000x128xf32, #tpu.memory_space<hbm>>
        tpu.enqueue_indirect_dma source(%dma_start3A_229 : memref<60000x128xf32, #tpu.memory_space<hbm>>) target(%dma_start3A_223 : memref<100x128xf32, #tpu.memory_space<vmem>>) offsets(%dma_start3A_226 : memref<100xi32, #tpu.memory_space<vmem>>) semaphore(%arg11 : memref<!tpu.dma_semaphore, #tpu.memory_space<semaphore_mem>>)
      } else {
      }
      %add3A_159 = arith.constant 2 : i32
      %add3A_160 = arith.addi %scan3A_118, %add3A_159 : i32
      %lt3A_161 = arith.constant 5 : i32
      %lt3A_162 = arith.cmpi slt, %add3A_160, %lt3A_161 : i32
      %convert_element_type3A_163 = arith.extui %lt3A_162 : i1 to i32
      %cond3A_164 = arith.constant 0 : i32
      %cond3A_165 = arith.cmpi ne, %convert_element_type3A_163, %cond3A_164 : i32
      scf.if %cond3A_165 {
        %add3A_167 = arith.constant 2 : i32
        %add3A_168 = arith.addi %scan3A_118, %add3A_167 : i32
        %dma_start3A_169 = arith.constant 0 : i32
        %dma_start3A_170 = arith.constant 0 : i32
        %dma_start3A_171 = tpu.memref_slice %arg6[%rem3A_120, %dma_start3A_169, %dma_start3A_170] : memref<2x20x100xi32, #tpu.memory_space<vmem>> -> memref<1x20x100xi32, #tpu.memory_space<vmem>>
        %dma_start3A_172 = tpu.memref_squeeze %dma_start3A_171 : memref<1x20x100xi32, #tpu.memory_space<vmem>> -> memref<20x100xi32, #tpu.memory_space<vmem>>
        %dma_start3A_173 = arith.constant 0 : i32
        %dma_start3A_174 = arith.constant 0 : i32
        %dma_start3A_175 = tpu.memref_slice %arg3[%add3A, %add3A_168, %dma_start3A_173, %dma_start3A_174] : memref<32x5x20x100xi32, #tpu.memory_space<hbm>> -> memref<1x1x20x100xi32, #tpu.memory_space<hbm>>
        %dma_start3A_176 = tpu.memref_squeeze %dma_start3A_175 : memref<1x1x20x100xi32, #tpu.memory_space<hbm>> -> memref<20x100xi32, #tpu.memory_space<hbm>>
        %dma_start3A_177 = arith.constant 0 : i32
        %dma_start3A_178 = arith.constant 0 : i32
        %dma_start3A_179 = tpu.memref_slice %arg6[%rem3A_120, %dma_start3A_177, %dma_start3A_178] : memref<2x20x100xi32, #tpu.memory_space<vmem>> -> memref<1x20x100xi32, #tpu.memory_space<vmem>>
        %dma_start3A_180 = tpu.memref_squeeze %dma_start3A_179 : memref<1x20x100xi32, #tpu.memory_space<vmem>> -> memref<20x100xi32, #tpu.memory_space<vmem>>
        %dma_start3A_181 = arith.constant 0 : i32
        %dma_start3A_182 = arith.constant 0 : i32
        %dma_start3A_183 = tpu.memref_slice %arg3[%add3A, %add3A_168, %dma_start3A_181, %dma_start3A_182] : memref<32x5x20x100xi32, #tpu.memory_space<hbm>> -> memref<1x1x20x100xi32, #tpu.memory_space<hbm>>
        %dma_start3A_184 = tpu.memref_squeeze %dma_start3A_183 : memref<1x1x20x100xi32, #tpu.memory_space<hbm>> -> memref<20x100xi32, #tpu.memory_space<hbm>>
        tpu.enqueue_dma source(%dma_start3A_184 : memref<20x100xi32, #tpu.memory_space<hbm>>) target(%dma_start3A_180 : memref<20x100xi32, #tpu.memory_space<vmem>>) target_semaphore(%arg12 : memref<!tpu.dma_semaphore, #tpu.memory_space<semaphore_mem>>)
        %add3A_185 = arith.constant 2 : i32
        %add3A_186 = arith.addi %scan3A_118, %add3A_185 : i32
        %dma_start3A_187 = arith.constant 0 : i32
        %dma_start3A_188 = arith.constant 0 : i32
        %dma_start3A_189 = tpu.memref_slice %arg7[%rem3A_120, %dma_start3A_187, %dma_start3A_188] : memref<2x20x100xi32, #tpu.memory_space<vmem>> -> memref<1x20x100xi32, #tpu.memory_space<vmem>>
        %dma_start3A_190 = tpu.memref_squeeze %dma_start3A_189 : memref<1x20x100xi32, #tpu.memory_space<vmem>> -> memref<20x100xi32, #tpu.memory_space<vmem>>
        %dma_start3A_191 = arith.constant 0 : i32
        %dma_start3A_192 = arith.constant 0 : i32
        %dma_start3A_193 = tpu.memref_slice %arg4[%add3A, %add3A_186, %dma_start3A_191, %dma_start3A_192] : memref<32x5x20x100xi32, #tpu.memory_space<hbm>> -> memref<1x1x20x100xi32, #tpu.memory_space<hbm>>
        %dma_start3A_194 = tpu.memref_squeeze %dma_start3A_193 : memref<1x1x20x100xi32, #tpu.memory_space<hbm>> -> memref<20x100xi32, #tpu.memory_space<hbm>>
        %dma_start3A_195 = arith.constant 0 : i32
        %dma_start3A_196 = arith.constant 0 : i32
        %dma_start3A_197 = tpu.memref_slice %arg7[%rem3A_120, %dma_start3A_195, %dma_start3A_196] : memref<2x20x100xi32, #tpu.memory_space<vmem>> -> memref<1x20x100xi32, #tpu.memory_space<vmem>>
        %dma_start3A_198 = tpu.memref_squeeze %dma_start3A_197 : memref<1x20x100xi32, #tpu.memory_space<vmem>> -> memref<20x100xi32, #tpu.memory_space<vmem>>
        %dma_start3A_199 = arith.constant 0 : i32
        %dma_start3A_200 = arith.constant 0 : i32
        %dma_start3A_201 = tpu.memref_slice %arg4[%add3A, %add3A_186, %dma_start3A_199, %dma_start3A_200] : memref<32x5x20x100xi32, #tpu.memory_space<hbm>> -> memref<1x1x20x100xi32, #tpu.memory_space<hbm>>
        %dma_start3A_202 = tpu.memref_squeeze %dma_start3A_201 : memref<1x1x20x100xi32, #tpu.memory_space<hbm>> -> memref<20x100xi32, #tpu.memory_space<hbm>>
        tpu.enqueue_dma source(%dma_start3A_202 : memref<20x100xi32, #tpu.memory_space<hbm>>) target(%dma_start3A_198 : memref<20x100xi32, #tpu.memory_space<vmem>>) target_semaphore(%arg13 : memref<!tpu.dma_semaphore, #tpu.memory_space<semaphore_mem>>)
      } else {
      }
      %scan3A_166 = arith.constant 0 : i32
      scf.yield %scan3A_166 : i32
    }
    %scan3A_112 = arith.constant 5 : i32
    %barrier3A_113 = arith.constant 0 : index
    tpu.barrier barrier_id(%barrier3A_113)
    %mul3A_114 = arith.constant 632 : i32
    %mul3A_115 = arith.muli %arg1, %mul3A_114 : i32
    %mul3A_116 = arith.constant 632 : i32
    %mul3A_117 = arith.muli %arg1, %mul3A_116 : i32
    "tpu.region"() ({
      %run_scoped3A_118 = tpu.sem_alloc : memref<!tpu.dma_semaphore, #tpu.memory_space<semaphore_mem>>
      %dma_start3A_119 = arith.constant 0 : i32
      %dma_start3A_120 = tpu.memref_slice %arg5[%arg0, %mul3A_117, %dma_start3A_119] : memref<2x10112x128xf32, #tpu.memory_space<hbm>> -> memref<1x632x128xf32, #tpu.memory_space<hbm>>
      %dma_start3A_121 = tpu.memref_squeeze %dma_start3A_120 : memref<1x632x128xf32, #tpu.memory_space<hbm>> -> memref<632x128xf32, #tpu.memory_space<hbm>>
      %dma_start3A_122 = arith.constant 0 : i32
      %dma_start3A_123 = tpu.memref_slice %arg9[%mul3A_115, %dma_start3A_122] : memref<10112x128xf32, #tpu.memory_space<vmem_shared>> -> memref<632x128xf32, #tpu.memory_space<vmem_shared>>
      tpu.enqueue_dma source(%dma_start3A_123 : memref<632x128xf32, #tpu.memory_space<vmem_shared>>) target(%dma_start3A_121 : memref<632x128xf32, #tpu.memory_space<hbm>>) target_semaphore(%run_scoped3A_118 : memref<!tpu.dma_semaphore, #tpu.memory_space<semaphore_mem>>)
      %dma_wait3A = arith.constant 0 : i32
      %dma_wait3A_124 = tpu.memref_slice %arg5[%arg0, %mul3A_117, %dma_wait3A] : memref<2x10112x128xf32, #tpu.memory_space<hbm>> -> memref<1x632x128xf32, #tpu.memory_space<hbm>>
      %dma_wait3A_125 = tpu.memref_squeeze %dma_wait3A_124 : memref<1x632x128xf32, #tpu.memory_space<hbm>> -> memref<632x128xf32, #tpu.memory_space<hbm>>
      %dma_wait3A_126 = arith.constant 0 : i32
      %dma_wait3A_127 = tpu.memref_slice %arg9[%mul3A_115, %dma_wait3A_126] : memref<10112x128xf32, #tpu.memory_space<vmem_shared>> -> memref<632x128xf32, #tpu.memory_space<vmem_shared>>
      tpu.wait_dma2 semaphore(%run_scoped3A_118 : memref<!tpu.dma_semaphore, #tpu.memory_space<semaphore_mem>>) src(%dma_wait3A_127 : memref<632x128xf32, #tpu.memory_space<vmem_shared>>) dst(%dma_wait3A_125 : memref<632x128xf32, #tpu.memory_space<hbm>>)
      tpu.yield
    }) : () -> ()
    return
  }
}

module attributes {stable_mosaic.version = 14 : i64} {
  func.func @_edge_table_body(%arg0: i32, %arg1: memref<5000x128xf32, #tpu.memory_space<vmem>>, %arg2: memref<128x768xf32, #tpu.memory_space<vmem>>, %arg3: memref<1x768xf32, #tpu.memory_space<vmem>>, %arg4: memref<5000x768xf32, #tpu.memory_space<vmem>>) attributes {dimension_semantics = [#tpu.dimension_semantics<arbitrary>], iteration_bounds = array<i64: 2>, scalar_prefetch = 0 : i64, scratch_operands = 0 : i64, tpu.core_type = #tpu.core_type<tc>, window_params = [{transform_indices = @transform_0, window_bounds = array<i64: 5000, 128>}, {pipeline_mode = #tpu.pipeline_mode<synchronous>, transform_indices = @transform_1, window_bounds = array<i64: 128, 768>}, {pipeline_mode = #tpu.pipeline_mode<synchronous>, transform_indices = @transform_2, window_bounds = array<i64: 1, 768>}, {transform_indices = @transform_3, window_bounds = array<i64: 5000, 768>}]} {
    %get3A = arith.constant 0 : index
    %get3A_0 = arith.constant 0 : index
    %get3A_1 = vector.load %arg1[%get3A, %get3A_0] : memref<5000x128xf32, #tpu.memory_space<vmem>>, vector<5000x128xf32>
    %get3A_2 = arith.constant 0 : index
    %get3A_3 = arith.constant 0 : index
    %get3A_4 = vector.load %arg2[%get3A_2, %get3A_3] : memref<128x768xf32, #tpu.memory_space<vmem>>, vector<128x768xf32>
    %dot_general3A = arith.constant dense<0.000000e+00> : vector<5000x768xf32>
    %dot_general3A_5 = tpu.matmul %get3A_1, %get3A_4, %dot_general3A {dimension_numbers = #tpu.dot_dimension_numbers<[1], [0], [0], [1], [0, 0, 1, 1], [], []>, transpose_lhs_hint = false} : vector<5000x128xf32>, vector<128x768xf32>, vector<5000x768xf32> -> vector<5000x768xf32>
    %get3A_6 = arith.constant 0 : index
    %get3A_7 = arith.constant 0 : index
    %get3A_8 = vector.load %arg3[%get3A_6, %get3A_7] : memref<1x768xf32, #tpu.memory_space<vmem>>, vector<1x768xf32>
    %add3A = vector.broadcast %get3A_8 : vector<1x768xf32> to vector<5000x768xf32>
    %add3A_9 = arith.addf %dot_general3A_5, %add3A : vector<5000x768xf32>
    %swap3A = arith.constant 0 : index
    %swap3A_10 = arith.constant 0 : index
    %swap3A_11 = vector.load %arg4[%swap3A, %swap3A_10] : memref<5000x768xf32, #tpu.memory_space<vmem>>, vector<5000x768xf32>
    tpu.vector_store %arg4[%swap3A, %swap3A_10], %add3A_9 {strides = array<i32>} : memref<5000x768xf32, #tpu.memory_space<vmem>>, vector<5000x768xf32>,
    return
  }
  func.func @transform_0(%arg0: i32) -> (i32, i32) {
    %c0_i32 = arith.constant 0 : i32
    %c0_i32_0 = arith.constant 0 : i32
    return %arg0, %c0_i32 : i32, i32
  }
  func.func @transform_1(%arg0: i32) -> (i32, i32) {
    %c0_i32 = arith.constant 0 : i32
    %c0_i32_0 = arith.constant 0 : i32
    %c0_i32_1 = arith.constant 0 : i32
    return %c0_i32, %c0_i32_0 : i32, i32
  }
  func.func @transform_2(%arg0: i32) -> (i32, i32) {
    %c0_i32 = arith.constant 0 : i32
    %c0_i32_0 = arith.constant 0 : i32
    %c0_i32_1 = arith.constant 0 : i32
    return %c0_i32, %c0_i32_0 : i32, i32
  }
  func.func @transform_3(%arg0: i32) -> (i32, i32) {
    %c0_i32 = arith.constant 0 : i32
    %c0_i32_0 = arith.constant 0 : i32
    return %arg0, %c0_i32 : i32, i32
  }
}

module attributes {stable_mosaic.version = 14 : i64} {
  func.func @_gru_body(%arg0: i32, %arg1: memref<5000x128xf32, #tpu.memory_space<vmem>>, %arg2: memref<2x5000x128xf32, #tpu.memory_space<vmem>>, %arg3: memref<128x128xf32, #tpu.memory_space<vmem>>, %arg4: memref<1x128xf32, #tpu.memory_space<vmem>>, %arg5: memref<128x128xf32, #tpu.memory_space<vmem>>, %arg6: memref<1x128xf32, #tpu.memory_space<vmem>>, %arg7: memref<128x128xf32, #tpu.memory_space<vmem>>, %arg8: memref<1x128xf32, #tpu.memory_space<vmem>>, %arg9: memref<128x128xf32, #tpu.memory_space<vmem>>, %arg10: memref<128x128xf32, #tpu.memory_space<vmem>>, %arg11: memref<128x128xf32, #tpu.memory_space<vmem>>, %arg12: memref<1x128xf32, #tpu.memory_space<vmem>>, %arg13: memref<5000x128xf32, #tpu.memory_space<vmem>>) attributes {dimension_semantics = [#tpu.dimension_semantics<arbitrary>], iteration_bounds = array<i64: 2>, scalar_prefetch = 0 : i64, scratch_operands = 0 : i64, tpu.core_type = #tpu.core_type<tc>, window_params = [{transform_indices = @transform_0, window_bounds = array<i64: 5000, 128>}, {transform_indices = @transform_1, window_bounds = array<i64: 2, 5000, 128>}, {pipeline_mode = #tpu.pipeline_mode<synchronous>, transform_indices = @transform_2, window_bounds = array<i64: 128, 128>}, {pipeline_mode = #tpu.pipeline_mode<synchronous>, transform_indices = @transform_3, window_bounds = array<i64: 1, 128>}, {pipeline_mode = #tpu.pipeline_mode<synchronous>, transform_indices = @transform_4, window_bounds = array<i64: 128, 128>}, {pipeline_mode = #tpu.pipeline_mode<synchronous>, transform_indices = @transform_5, window_bounds = array<i64: 1, 128>}, {pipeline_mode = #tpu.pipeline_mode<synchronous>, transform_indices = @transform_6, window_bounds = array<i64: 128, 128>}, {pipeline_mode = #tpu.pipeline_mode<synchronous>, transform_indices = @transform_7, window_bounds = array<i64: 1, 128>}, {pipeline_mode = #tpu.pipeline_mode<synchronous>, transform_indices = @transform_8, window_bounds = array<i64: 128, 128>}, {pipeline_mode = #tpu.pipeline_mode<synchronous>, transform_indices = @transform_9, window_bounds = array<i64: 128, 128>}, {pipeline_mode = #tpu.pipeline_mode<synchronous>, transform_indices = @transform_10, window_bounds = array<i64: 128, 128>}, {pipeline_mode = #tpu.pipeline_mode<synchronous>, transform_indices = @transform_11, window_bounds = array<i64: 1, 128>}, {transform_indices = @transform_12, window_bounds = array<i64: 5000, 128>}]} {
    %get3A = arith.constant 0 : index
    %get3A_0 = arith.constant 0 : index
    %get3A_1 = vector.load %arg1[%get3A, %get3A_0] : memref<5000x128xf32, #tpu.memory_space<vmem>>, vector<5000x128xf32>
    %get3A_2 = arith.constant 0 : index
    %get3A_3 = arith.constant 0 : index
    %get3A_4 = arith.constant 0 : index
    %get3A_5 = vector.load %arg2[%get3A_2, %get3A_3, %get3A_4] : memref<2x5000x128xf32, #tpu.memory_space<vmem>>, vector<1x5000x128xf32>
    %get3A_6 = vector.shape_cast %get3A_5 : vector<1x5000x128xf32> to vector<5000x128xf32>
    %get3A_7 = arith.constant 1 : index
    %get3A_8 = arith.constant 0 : index
    %get3A_9 = arith.constant 0 : index
    %get3A_10 = vector.load %arg2[%get3A_7, %get3A_8, %get3A_9] : memref<2x5000x128xf32, #tpu.memory_space<vmem>>, vector<1x5000x128xf32>
    %get3A_11 = vector.shape_cast %get3A_10 : vector<1x5000x128xf32> to vector<5000x128xf32>
    %add3A = arith.addf %get3A_6, %get3A_11 : vector<5000x128xf32>
    %get3A_12 = arith.constant 0 : index
    %get3A_13 = arith.constant 0 : index
    %get3A_14 = vector.load %arg3[%get3A_12, %get3A_13] : memref<128x128xf32, #tpu.memory_space<vmem>>, vector<128x128xf32>
    %dot_general3A = arith.constant dense<0.000000e+00> : vector<5000x128xf32>
    %dot_general3A_15 = tpu.matmul %get3A_1, %get3A_14, %dot_general3A {dimension_numbers = #tpu.dot_dimension_numbers<[1], [0], [0], [1], [0, 0, 1, 1], [], []>, transpose_lhs_hint = false} : vector<5000x128xf32>, vector<128x128xf32>, vector<5000x128xf32> -> vector<5000x128xf32>
    %get3A_16 = arith.constant 0 : index
    %get3A_17 = arith.constant 0 : index
    %get3A_18 = vector.load %arg4[%get3A_16, %get3A_17] : memref<1x128xf32, #tpu.memory_space<vmem>>, vector<1x128xf32>
    %add3A_19 = vector.broadcast %get3A_18 : vector<1x128xf32> to vector<5000x128xf32>
    %add3A_20 = arith.addf %dot_general3A_15, %add3A_19 : vector<5000x128xf32>
    %get3A_21 = arith.constant 0 : index
    %get3A_22 = arith.constant 0 : index
    %get3A_23 = vector.load %arg9[%get3A_21, %get3A_22] : memref<128x128xf32, #tpu.memory_space<vmem>>, vector<128x128xf32>
    %dot_general3A_24 = arith.constant dense<0.000000e+00> : vector<5000x128xf32>
    %dot_general3A_25 = tpu.matmul %add3A, %get3A_23, %dot_general3A_24 {dimension_numbers = #tpu.dot_dimension_numbers<[1], [0], [0], [1], [0, 0, 1, 1], [], []>, transpose_lhs_hint = false} : vector<5000x128xf32>, vector<128x128xf32>, vector<5000x128xf32> -> vector<5000x128xf32>
    %add3A_26 = arith.addf %add3A_20, %dot_general3A_25 : vector<5000x128xf32>
    %logistic3A = arith.negf %add3A_26 : vector<5000x128xf32>
    %logistic3A_27 = math.exp %logistic3A : vector<5000x128xf32>
    %logistic3A_28 = arith.constant 1.000000e+00 : f32
    %logistic3A_29 = vector.broadcast %logistic3A_28 : f32 to vector<5000x128xf32>
    %logistic3A_30 = arith.addf %logistic3A_29, %logistic3A_27 : vector<5000x128xf32>
    %logistic3A_31 = arith.divf %logistic3A_29, %logistic3A_30 : vector<5000x128xf32>
    %get3A_32 = arith.constant 0 : index
    %get3A_33 = arith.constant 0 : index
    %get3A_34 = vector.load %arg5[%get3A_32, %get3A_33] : memref<128x128xf32, #tpu.memory_space<vmem>>, vector<128x128xf32>
    %dot_general3A_35 = arith.constant dense<0.000000e+00> : vector<5000x128xf32>
    %dot_general3A_36 = tpu.matmul %get3A_1, %get3A_34, %dot_general3A_35 {dimension_numbers = #tpu.dot_dimension_numbers<[1], [0], [0], [1], [0, 0, 1, 1], [], []>, transpose_lhs_hint = false} : vector<5000x128xf32>, vector<128x128xf32>, vector<5000x128xf32> -> vector<5000x128xf32>
    %get3A_37 = arith.constant 0 : index
    %get3A_38 = arith.constant 0 : index
    %get3A_39 = vector.load %arg6[%get3A_37, %get3A_38] : memref<1x128xf32, #tpu.memory_space<vmem>>, vector<1x128xf32>
    %add3A_40 = vector.broadcast %get3A_39 : vector<1x128xf32> to vector<5000x128xf32>
    %add3A_41 = arith.addf %dot_general3A_36, %add3A_40 : vector<5000x128xf32>
    %get3A_42 = arith.constant 0 : index
    %get3A_43 = arith.constant 0 : index
    %get3A_44 = vector.load %arg10[%get3A_42, %get3A_43] : memref<128x128xf32, #tpu.memory_space<vmem>>, vector<128x128xf32>
    %dot_general3A_45 = arith.constant dense<0.000000e+00> : vector<5000x128xf32>
    %dot_general3A_46 = tpu.matmul %add3A, %get3A_44, %dot_general3A_45 {dimension_numbers = #tpu.dot_dimension_numbers<[1], [0], [0], [1], [0, 0, 1, 1], [], []>, transpose_lhs_hint = false} : vector<5000x128xf32>, vector<128x128xf32>, vector<5000x128xf32> -> vector<5000x128xf32>
    %add3A_47 = arith.addf %add3A_41, %dot_general3A_46 : vector<5000x128xf32>
    %logistic3A_48 = arith.negf %add3A_47 : vector<5000x128xf32>
    %logistic3A_49 = math.exp %logistic3A_48 : vector<5000x128xf32>
    %logistic3A_50 = arith.constant 1.000000e+00 : f32
    %logistic3A_51 = vector.broadcast %logistic3A_50 : f32 to vector<5000x128xf32>
    %logistic3A_52 = arith.addf %logistic3A_51, %logistic3A_49 : vector<5000x128xf32>
    %logistic3A_53 = arith.divf %logistic3A_51, %logistic3A_52 : vector<5000x128xf32>
    %get3A_54 = arith.constant 0 : index
    %get3A_55 = arith.constant 0 : index
    %get3A_56 = vector.load %arg7[%get3A_54, %get3A_55] : memref<128x128xf32, #tpu.memory_space<vmem>>, vector<128x128xf32>
    %dot_general3A_57 = arith.constant dense<0.000000e+00> : vector<5000x128xf32>
    %dot_general3A_58 = tpu.matmul %get3A_1, %get3A_56, %dot_general3A_57 {dimension_numbers = #tpu.dot_dimension_numbers<[1], [0], [0], [1], [0, 0, 1, 1], [], []>, transpose_lhs_hint = false} : vector<5000x128xf32>, vector<128x128xf32>, vector<5000x128xf32> -> vector<5000x128xf32>
    %get3A_59 = arith.constant 0 : index
    %get3A_60 = arith.constant 0 : index
    %get3A_61 = vector.load %arg8[%get3A_59, %get3A_60] : memref<1x128xf32, #tpu.memory_space<vmem>>, vector<1x128xf32>
    %add3A_62 = vector.broadcast %get3A_61 : vector<1x128xf32> to vector<5000x128xf32>
    %add3A_63 = arith.addf %dot_general3A_58, %add3A_62 : vector<5000x128xf32>
    %get3A_64 = arith.constant 0 : index
    %get3A_65 = arith.constant 0 : index
    %get3A_66 = vector.load %arg11[%get3A_64, %get3A_65] : memref<128x128xf32, #tpu.memory_space<vmem>>, vector<128x128xf32>
    %dot_general3A_67 = arith.constant dense<0.000000e+00> : vector<5000x128xf32>
    %dot_general3A_68 = tpu.matmul %add3A, %get3A_66, %dot_general3A_67 {dimension_numbers = #tpu.dot_dimension_numbers<[1], [0], [0], [1], [0, 0, 1, 1], [], []>, transpose_lhs_hint = false} : vector<5000x128xf32>, vector<128x128xf32>, vector<5000x128xf32> -> vector<5000x128xf32>
    %get3A_69 = arith.constant 0 : index
    %get3A_70 = arith.constant 0 : index
    %get3A_71 = vector.load %arg12[%get3A_69, %get3A_70] : memref<1x128xf32, #tpu.memory_space<vmem>>, vector<1x128xf32>
    %add3A_72 = vector.broadcast %get3A_71 : vector<1x128xf32> to vector<5000x128xf32>
    %add3A_73 = arith.addf %dot_general3A_68, %add3A_72 : vector<5000x128xf32>
    %mul3A = arith.mulf %logistic3A_31, %add3A_73 : vector<5000x128xf32>
    %add3A_74 = arith.addf %add3A_63, %mul3A : vector<5000x128xf32>
    %tanh3A = math.tanh %add3A_74 : vector<5000x128xf32>
    %sub3A = arith.constant 1.000000e+00 : f32
    %sub3A_75 = vector.broadcast %sub3A : f32 to vector<5000x128xf32>
    %sub3A_76 = arith.subf %sub3A_75, %logistic3A_53 : vector<5000x128xf32>
    %mul3A_77 = arith.mulf %sub3A_76, %tanh3A : vector<5000x128xf32>
    %mul3A_78 = arith.mulf %logistic3A_53, %add3A : vector<5000x128xf32>
    %add3A_79 = arith.addf %mul3A_77, %mul3A_78 : vector<5000x128xf32>
    %swap3A = arith.constant 0 : index
    %swap3A_80 = arith.constant 0 : index
    %swap3A_81 = vector.load %arg13[%swap3A, %swap3A_80] : memref<5000x128xf32, #tpu.memory_space<vmem>>, vector<5000x128xf32>
    tpu.vector_store %arg13[%swap3A, %swap3A_80], %add3A_79 {strides = array<i32>} : memref<5000x128xf32, #tpu.memory_space<vmem>>, vector<5000x128xf32>,
    return
  }
  func.func @transform_0(%arg0: i32) -> (i32, i32) {
    %c0_i32 = arith.constant 0 : i32
    %c0_i32_0 = arith.constant 0 : i32
    return %arg0, %c0_i32 : i32, i32
  }
  func.func @transform_1(%arg0: i32) -> (i32, i32, i32) {
    %c0_i32 = arith.constant 0 : i32
    %c0_i32_0 = arith.constant 0 : i32
    %c0_i32_1 = arith.constant 0 : i32
    return %c0_i32, %arg0, %c0_i32_0 : i32, i32, i32
  }
  func.func @transform_2(%arg0: i32) -> (i32, i32) {
    %c0_i32 = arith.constant 0 : i32
    %c0_i32_0 = arith.constant 0 : i32
    %c0_i32_1 = arith.constant 0 : i32
    return %c0_i32, %c0_i32_0 : i32, i32
  }
  func.func @transform_3(%arg0: i32) -> (i32, i32) {
    %c0_i32 = arith.constant 0 : i32
    %c0_i32_0 = arith.constant 0 : i32
    %c0_i32_1 = arith.constant 0 : i32
    return %c0_i32, %c0_i32_0 : i32, i32
  }
  func.func @transform_4(%arg0: i32) -> (i32, i32) {
    %c0_i32 = arith.constant 0 : i32
    %c0_i32_0 = arith.constant 0 : i32
    %c0_i32_1 = arith.constant 0 : i32
    return %c0_i32, %c0_i32_0 : i32, i32
  }
  func.func @transform_5(%arg0: i32) -> (i32, i32) {
    %c0_i32 = arith.constant 0 : i32
    %c0_i32_0 = arith.constant 0 : i32
    %c0_i32_1 = arith.constant 0 : i32
    return %c0_i32, %c0_i32_0 : i32, i32
  }
  func.func @transform_6(%arg0: i32) -> (i32, i32) {
    %c0_i32 = arith.constant 0 : i32
    %c0_i32_0 = arith.constant 0 : i32
    %c0_i32_1 = arith.constant 0 : i32
    return %c0_i32, %c0_i32_0 : i32, i32
  }
  func.func @transform_7(%arg0: i32) -> (i32, i32) {
    %c0_i32 = arith.constant 0 : i32
    %c0_i32_0 = arith.constant 0 : i32
    %c0_i32_1 = arith.constant 0 : i32
    return %c0_i32, %c0_i32_0 : i32, i32
  }
  func.func @transform_8(%arg0: i32) -> (i32, i32) {
    %c0_i32 = arith.constant 0 : i32
    %c0_i32_0 = arith.constant 0 : i32
    %c0_i32_1 = arith.constant 0 : i32
    return %c0_i32, %c0_i32_0 : i32, i32
  }
  func.func @transform_9(%arg0: i32) -> (i32, i32) {
    %c0_i32 = arith.constant 0 : i32
    %c0_i32_0 = arith.constant 0 : i32
    %c0_i32_1 = arith.constant 0 : i32
    return %c0_i32, %c0_i32_0 : i32, i32
  }
  func.func @transform_10(%arg0: i32) -> (i32, i32) {
    %c0_i32 = arith.constant 0 : i32
    %c0_i32_0 = arith.constant 0 : i32
    %c0_i32_1 = arith.constant 0 : i32
    return %c0_i32, %c0_i32_0 : i32, i32
  }
  func.func @transform_11(%arg0: i32) -> (i32, i32) {
    %c0_i32 = arith.constant 0 : i32
    %c0_i32_0 = arith.constant 0 : i32
    %c0_i32_1 = arith.constant 0 : i32
    return %c0_i32, %c0_i32_0 : i32, i32
  }
  func.func @transform_12(%arg0: i32) -> (i32, i32) {
    %c0_i32 = arith.constant 0 : i32
    %c0_i32_0 = arith.constant 0 : i32
    return %arg0, %c0_i32 : i32, i32
  }
}

</mosaic_0001>

<sc_bundles>
// kernel: kernel.5.cloned.1.call-start
scs
__scs_entry_jumppad:
0x0: {  	(pc) =	sbr.rel $0x88, $3  }
0x1: {  	(tag) =	ssettag $0x0;
	lr =	simm.s32 $0x1  }
0x2: {  	[smem:$0x3F91] =	sst lr;
	_ =	strace $0xD0000000  }
0x3: {  	_ = 	snop  }
0x4: {  	_ = 	snop  }
0x5: {  	_ = 	snop  }
0x6: {  	_ = 	snop  }
0x7: {  	_ = 	snop  }
__scs_overlays_trampoline_lowered:
0x8: {  	[smem:$0x3FA0] =	sst s0  }
0x9: {  	[smem:$0x3FA1] =	sst s1  }
0xa: {  	[smem:$0x3FA2] =	sst s2  }
0xb: {  	[smem:$0x3FA3] =	sst s3  }
0xc: {  	[smem:$0x3FA4] =	sst s4  }
0xd: {  	[smem:$0x3FA5] =	sst s5  }
0xe: {  	[smem:$0x3FA6] =	sst s6  }
0xf: {  	[smem:$0x3FA7] =	sst s7  }
0x10: {  	[smem:$0x3FA8] =	sst s8  }
0x11: {  	[smem:$0x3FA9] =	sst s9;
	s0 =	simm.s32 @!p0 $0x0  }
0x12: {  	s1 =	sld [smem:$0x3F8F];
	s0 =	simm.s32 @p0 $0x1  }
0x13: {  	[smem:$0x3FAA] =	sst s0;
	s0 =	simm.s32 @!p1 $0x0  }
0x14: {  	s2 =	sld [smem:$0x3F8E];
	s0 =	simm.s32 @p1 $0x1  }
0x15: {  	[smem:$0x3FAB] =	sst s0;
	s0 =	simm.s32 @!p2 $0x0  }
0x16: {  	s3 =	sld [smem:$0x3FDB];
	s0 =	simm.s32 @p2 $0x1  }
0x17: {  	s4 =	simm.s32 $0x1BF5;
	[smem:$0x3FAD] =	sst s0  }
0x18: {  	s0 =	sld [smem:$0x3F90];
	_ =	swait.ge [sflag:s4], $0x0  }
0x19: {  	s7 =	sld [smem:$0x3F91]  }
0x1a: {  	s8 =	sadd.s32 $0xFFFFE003, lr  }
0x1b: {  	s9 =	sadd.s32 $0xFFFFFEF7, lr;
	s5 =	simm.s32 $0xFFFFFFFF;
	p2 =	slt.u32 s8, $0xFFFFF086  }
0x1c: {  	p1 =	slt.u32 s9, $0xF7A;
	s5 =	simm.s32 @!p2 $0x0  }
0x1d: {  	s5 =	simm.s32 @p1 $0x1;
	p0 =	seq.s32 s7, s2  }
0x1e: {  	s7 =	smul.u32 @!p0 $0xF7A, s2;
	p2 =	seq.s32 @!p0 s5, $0x0  }
0x1f: {  	s9 =	smul.u32 $0xF7A, s1;
	s8 =	simm.s32 @!p0 $0x1BF5;
	p2 =	por !p2, p0  }
0x20: {  	[sflag:s8] =	ssyncset.s32 @!p0 $0xFFFFF086;
	s6 =	sadd.s32 @!p0 s3, s7;
	s7 =	simm.s32 @!p0 $0x108  }
0x21: {  	s3 =	sadd.s32 s3, s9;
	s6 =	sadd.s32 @!p0 $0x88, s6;
	s7 =	simm.s32 @p2 $0x1082  }
0x22: {  	[simem:s7], [sflag:s8] =	dma.local @!p0 [hbm:s6], $0xF7A  }
0x23: {  	s9 =	sor.u32 $0xD0000000, s2;
	s6 =	simm.s32 $0x108;
	_ =	swait.ge @!p0 [sflag:s8], $0x0  }
0x24: {  	s3 =	sadd.s32 $0x88, s3;
	s6 =	simm.s32 @!p1 $0x1082;
	[sflag:s4] =	ssyncset.s32 $0xFFFFF086  }
0x25: {  	[simem:s6], [sflag:s4] =	dma.local [hbm:s3], $0xF7A  }
0x26: {  	[smem:$0x3F91] =	sst s1;
	(tag) =	ssettag s2;
	_ =	strace s9  }
0x27: {  	s1 =	sld [smem:$0x3FA1]  }
0x28: {  	s2 =	sld [smem:$0x3FA2]  }
0x29: {  	s4 =	sld [smem:$0x3FA4]  }
0x2a: {  	p0 =	seq.s32 s5, $0x0;
	s5 =	sld [smem:$0x3FA5]  }
0x2b: {  	s6 =	sld [smem:$0x3FA6]  }
0x2c: {  	s7 =	sld [smem:$0x3FA7]  }
0x2d: {  	s3 =	simm.s32 $0x108;
	s8 =	sld [smem:$0x3FA8]  }
0x2e: {  	s3 =	simm.s32 @!p0 $0x1082;
	s9 =	sld [smem:$0x3FA9]  }
0x2f: {  	lr =	sadd.s32 s0, s3;
	s0 =	sld [smem:$0x3FA0]  }
0x30: {  	s3 =	sld [smem:$0x3FA3]  }
0x31: {  	[smem:$0x3FAC] =	sst s10  }
0x32: {  	s10 =	sld [smem:$0x3FAA];
	_ =	sdelay $0x3  }
0x33: {  	p0 =	seq.s32 s10, $0x1;
	s10 =	sld [smem:$0x3FAC];
	_ =	sdelay $0x3  }
0x34: {  	[smem:$0x3FAC] =	sst s10  }
0x35: {  	s10 =	sld [smem:$0x3FAB];
	_ =	sdelay $0x3  }
0x36: {  	p1 =	seq.s32 s10, $0x1;
	s10 =	sld [smem:$0x3FAC];
	_ =	sdelay $0x3  }
0x37: {  	[smem:$0x3FAC] =	sst s10  }
0x38: {  	s10 =	sld [smem:$0x3FAD]  }
0x39: {  	_ = 	snop;
	(pc) =	sbr.ind lr, $3  }
0x3a: {  	_ = 	snop  }
0x3b: {  	_ = 	snop  }
0x3c: {  	p2 =	seq.s32 s10, $0x1;
	s10 =	sld [smem:$0x3FAC]  }
0x3d: {  	_ =	shalt  }
0x3e: {  	_ =	shalt  }
0x3f: {  	_ =	shalt  }
0x40: {  	_ =	shalt  }
0x41: {  	_ =	shalt  }
0x42: {  	_ =	shalt  }
0x43: {  	_ =	shalt  }
0x44: {  	_ =	shalt  }
0x45: {  	_ =	shalt  }
0x46: {  	_ =	shalt  }
0x47: {  	_ =	shalt  }
0x48: {  	_ =	shalt  }
0x49: {  	_ =	shalt  }
0x4a: {  	_ =	shalt  }
0x4b: {  	_ =	shalt  }
0x4c: {  	_ =	shalt  }
0x4d: {  	_ =	shalt  }
0x4e: {  	_ =	shalt  }
0x4f: {  	_ =	shalt  }
0x50: {  	_ =	shalt  }
0x51: {  	_ =	shalt  }
0x52: {  	_ =	shalt  }
0x53: {  	_ =	shalt  }
0x54: {  	_ =	shalt  }
0x55: {  	_ =	shalt  }
0x56: {  	_ =	shalt  }
0x57: {  	_ =	shalt  }
0x58: {  	_ =	shalt  }
0x59: {  	_ =	shalt  }
0x5a: {  	_ =	shalt  }
0x5b: {  	_ =	shalt  }
0x5c: {  	_ =	shalt  }
0x5d: {  	_ =	shalt  }
0x5e: {  	_ =	shalt  }
0x5f: {  	_ =	shalt  }
0x60: {  	_ =	shalt  }
0x61: {  	_ =	shalt  }
0x62: {  	_ =	shalt  }
0x63: {  	_ =	shalt  }
0x64: {  	_ =	shalt  }
0x65: {  	_ =	shalt  }
0x66: {  	_ =	shalt  }
0x67: {  	_ =	shalt  }
0x68: {  	_ =	shalt  }
0x69: {  	_ =	shalt  }
0x6a: {  	_ =	shalt  }
0x6b: {  	_ =	shalt  }
0x6c: {  	_ =	shalt  }
0x6d: {  	_ =	shalt  }
0x6e: {  	_ =	shalt  }
0x6f: {  	_ =	shalt  }
0x70: {  	_ =	shalt  }
0x71: {  	_ =	shalt  }
0x72: {  	_ =	shalt  }
0x73: {  	_ =	shalt  }
0x74: {  	_ =	shalt  }
0x75: {  	_ =	shalt  }
0x76: {  	_ =	shalt  }
0x77: {  	_ =	shalt  }
0x78: {  	_ =	shalt  }
0x79: {  	_ =	shalt  }
0x7a: {  	_ =	shalt  }
0x7b: {  	_ =	shalt  }
0x7c: {  	_ =	shalt  }
0x7d: {  	_ =	shalt  }
0x7e: {  	_ =	shalt  }
0x7f: {  	_ =	shalt  }
0x80: {  	_ =	shalt  }
0x81: {  	_ =	shalt  }
0x82: {  	_ =	shalt  }
0x83: {  	_ =	shalt  }
0x84: {  	_ =	shalt  }
0x85: {  	_ =	shalt  }
0x86: {  	_ =	shalt  }
0x87: {  	_ =	shalt  }
.Lfunc_end0:
.L_simem_size_0:
called_computation_lowered:
.L_overlay_start_0:
0x88: {  	s2 =	sld [smem:$0x3FD9]  }
0x89: {  	s3 =	sld [smem:$0x3FFE];
	_ =	sdelay $0x1  }
0x8a: {  	s1 =	srdreg.scid  }
0x8b: {  	s0 =	sand.u32 $0x1, s1  }
0x8c: {  	s17 =	sshll.u32 s0, $0xA;
	s2 =	sadd.s32 s3, s2  }
0x8d: {  	s2 =	sadd.s32 s2, s17  }
0x8e: {  	[smem:$0x3FB8] =	sst s2  }
0x8f: {  	_ = 	snop  }
0x90: {  	s2 =	sld [smem:$0x3FD0];
	(tm) =	ssettm $0x1  }
0x91: {  	s18 =	sld [smem:$0x3FFB];
	_ =	sdelay $0x3  }
0x92: {  	_ =	strace s18  }
0x93: {  	s3 =	sld [smem:$0x3FFC];
	_ =	sdelay $0x3  }
0x94: {  	_ =	strace s3  }
0x95: {  	s3 =	sld [smem:$0x3FFD];
	_ =	sdelay $0x3  }
0x96: {  	_ =	strace s3  }
0x97: {  	_ =	strace $0x8FFFFFFF  }
0x98: {  	s19 =	sld [smem:$0x3FDB];
	_ =	sdelay $0x1  }
0x99: {  	s4 =	simm.s32 $_scs_section_size  }
0x9a: {  	s5 =	simm.s32 $_size__tile_overlayer_lowered;
	s6 =	simm.s32 $_tile_overlayer_lowered  }
0x9b: {  	s22 =	simm.s32 $0x1BFF;
	s21 =	sshll.u32 s6, $0x1;
	s3 =	sadd.s32 s4, s19  }
0x9c: {  	s7 =	simm.s32 $0x0;
	s20 =	sshll.u32 s5, $0x1;
	s5 =	sadd.s32 s21, s3  }
0x9d: {  	[timem:s7], [sflag:s22] =	dma.local [hbm:s5], s20  }
0x9e: {  	_ =	swait.ge [sflag:s22], s20  }
0x9f: {  	s4 =	ssub.s32 $0x0, s20;
	[sflag:s22] =	ssyncset.done $0x0  }
0xa0: {  	[sflag:s22] =	ssyncadd.s32 s4;
	_ =	sdelay $0x1  }
0xa1: {  	s23 =	simm.s32 $0x1B8B  }
0xa2: {  	_ =	swait.ge [sflag:s23], $0x1  }
0xa3: {  	[sflag:s23] =	ssyncset.done $0x0  }
0xa4: {  	s25 =	simm.s32 $0x1B8E;
	s24 =	sld [smem:$0x3FFE];
	[sflag:s23] =	ssyncadd.s32 $0xFFFFFFFF  }
0xa5: {  	s26 =	simm.s32 $execute0_lowered;
	[smem:$0x3FD2] =	sst s25  }
0xa6: {  	s5 =	sshll.u32 s26, $0x1;
	_ =	strace $0x80000046;
	[dreg:$0x1] =	wrdreg $0xFFFFFFFF  }
0xa7: {  	s28 =	simm.s32 $_size_execute0_lowered;
	s3 =	sadd.s32 s3, s5;
	[dreg:$0x0] =	wrdreg $0x0  }
0xa8: {  	s5 =	sshll.u32 s28, $0x1;
	[dreg:$0x2] =	wrdreg s3  }
0xa9: {  	[dreg:$0x3] =	wrdreg s5  }
0xaa: {  	[dreg:$0x4] =	wrdreg $0xC0  }
0xab: {  	_ =	task [dreg:s7], $0x5FFFF  }
0xac: {  	[dreg:$0x1] =	wrdreg $0xFFFFFFFF  }
0xad: {  	[dreg:$0x0] =	wrdreg $0x60  }
0xae: {  	[dreg:$0x2] =	wrdreg s24  }
0xaf: {  	[dreg:$0x3] =	wrdreg s2  }
0xb0: {  	[dreg:$0x4] =	wrdreg $0x98000  }
0xb1: {  	[dreg:$0x5] =	wrdreg $0x9  }
0xb2: {  	_ =	task.clear_ibuf [dreg:s7], $0x6FFFF;
	_ =	strace $0x90000046  }
0xb3: {  	s29 =	simm.s32 $0x9;
	_ =	strace $0x80000048  }
0xb4: {  	_ =	swait.ge [sflag:s29], $0x1  }
0xb5: {  	[sflag:s29] =	ssyncadd.s32 $0xFFFFFFFF  }
0xb6: {  	_ =	strace $0x90000048  }
0xb7: {  	_ =	sfence  }
0xb8: {  	s30 =	sld [smem:$0x0];
	_ =	sdelay $0x2  }
0xb9: {  	s31 =	sshll.u32 s1, $0xD;
	s1 =	sshrl.u32 s1, $0x2  }
0xba: {  	s3 =	sand.u32 $0x4000, s31;
	s1 =	sadd.s32 s1, s30  }
0xbb: {  	s0 =	sor.u32 s3, s0;
	s1 =	sshll.u32 s1, $0x11  }
0xbc: {  	s0 =	sor.u32 s1, s0  }
0xbd: {  	s0 =	sadd.s32 $0x8F2B, s0  }
0xbe: {  	[sflag:s0] =	ssyncadd.remote.s32 $0x1  }
0xbf: {  	_ =	sfence.sel $0xFFFF  }
0xc0: {  	[dreg:$0x0] =	wrdreg $0xFFFFFFFF;
	(pc) =	sbr.abs _section_cstart, $3  }
0xc1: {  	[dreg:$0x1] =	wrdreg $0xFFFFFFFF  }
0xc2: {  	_ =	task.clear_ibuf [dreg:s7], $0x2FFFF;
	_ =	strace $0x9FFFFFFF  }
0xc3: {  	(tm) =	ssettm $0x7FFFFFFF  }
tec
execute0_lowered:
.L_overlay_start_1:
0x0: {  	(tag) =	ssettag $0x1  }
0x1: {  	s1 =	rddreg [dreg:$0x0]  }
0x2: {  	s0 =	srdreg.scid;
	s18 =	rddreg [dreg:$0x1]  }
0x3: {  	s25 =	stileid.u32;
	s2 =	rddreg [dreg:$0x2]  }
0x4: {  	s3 =	simm.s32 $0x0;
	s21 =	simm.s32 $0x5;
	s5 =	smul.u32 $0x13C00, s25  }
0x5: {  	s28 =	simm.s32 $0x6400;
	s29 =	simm.s32 $0x1;
	s6 =	smul.u32 $0x4F000, s25  }
0x6: {  	s30 =	simm.s32 $0x2;
	s9 =	sand.u32 $0x1, s0;
	s16 =	smul.u32 $0x3C00, s25  }
0x7: {  	[smem:$0x7FF] =	sst s3;
	s19 =	sadd.s32 $0x2C00, s1;
	s4 =	smul.u32 $0x13C000, s9  }
0x8: {  	_ =	strace $0x80000047;
	s7 =	ssub.s32 $0x2, s9;
	s26 =	sshll.u32 s9, $0x4  }
0x9: {  	s14 =	smul.u32 $0x3C000, s9;
	s6 =	sshrl.u32 s6, $0x2;
	s8 =	sshrl.u32 s7, $0x1  }
0xa: {  	s10 =	sor.u32 s25, s26;
	s25 =	simm.s32 $0x64;
	s4 =	sadd.s32 s5, s4  }
0xb: {  	s17 =	ssub.s32 s7, s8;
	s10 =	smul.u32 $0x3C00, s10;
	s16 =	sadd.s32 s16, s14  }
0xc: {  	s5 =	sshrl.u32 s4, $0x3;
	s4 =	sadd.s32 $0xED200, s1;
	s20 =	sadd.s32 $0x1800, s16  }
0xd: {  	s17 =	smax.u32 s17, $0x1;
	s1 =	sadd.s32 s5, s1;
	s5 =	sadd.s32 s6, s2  }
0xe: {  	s15 =	sshrl.u32 s10, $0x3;
	s31 =	sshrl.u32 s20, $0x3;
	s20 =	simm.s32 $0x3000  }
0xf: {  	s6 =	sadd.s32 $0x3200, s5;
	s7 =	sadd.s32 $0x6400, s5;
	s8 =	sadd.s32 $0x9600, s5  }
0x10: {  	s9 =	sadd.s32 $0xC800, s5;
	s10 =	sadd.s32 $0xFA00, s5;
	s11 =	sadd.s32 $0x12C00, s5  }
0x11: {  	s12 =	sadd.s32 s18, s15;
	s13 =	sadd.s32 s19, s15;
	s15 =	sadd.s32 $0x180, s15  }
0x12: {  	s16 =	sadd.s32 $0x11C00, s1;
	s22 =	sadd.s32 s31, s19;
	s1 =	sadd.s32 s31, s18  }
0x13: {  	v0 =	vimm.f32 $0.0e+00;
	[dreg:$0x4] =	wrdreg s6;
	s14 =	sadd.s32 s18, s15;
	s15 =	sadd.s32 s19, s15  }
.LBB2_1:
0x14: {  	s18 =	simm.s32 $0x0;
	s19 =	simm.s32 $0x200  }
.LBB2_2:
0x15: {  	p0 =	sne.s32 s19, $0xC600;
	[tilespmem:s18+$0x3070] =	vst v0  }
0x16: {  	[tilespmem:s18+$0x3000] =	vst v0  }
0x17: {  	[tilespmem:s18+$0x3010] =	vst v0  }
.Ltmp0:
0x18: {  	[tilespmem:s18+$0x3020] =	vst v0;
	(pc) =	sbr.rel @p0 .LBB2_2-.Ltmp0, $4  }
0x19: {  	[tilespmem:s18+$0x3030] =	vst v0  }
0x1a: {  	[tilespmem:s18+$0x3040] =	vst v0  }
0x1b: {  	[tilespmem:s18+$0x3050] =	vst v0  }
0x1c: {  	[tilespmem:s18+$0x3060] =	vst v0;
	s18 =	sshra.s32 s19, $0x2;
	s19 =	sadd.s32 $0x200, s19  }
0x1d: {  	[tilespmem:s18+$0x3070] =	vst v0  }
0x1e: {  	[tilespmem:s18+$0x3000] =	vst v0  }
0x1f: {  	[tilespmem:s18+$0x3010] =	vst v0  }
0x20: {  	[tilespmem:s18+$0x3020] =	vst v0  }
0x21: {  	[tilespmem:s18+$0x3030] =	vst v0  }
0x22: {  	[tilespmem:s18+$0x3040] =	vst v0  }
0x23: {  	[tilespmem:s18+$0x3050] =	vst v0  }
0x24: {  	[tilespmem:s18+$0x3060] =	vst v0  }
0x25: {  	[spmem:s5] =	stream.linear.scatter [tilespmem:s20], [sflag:$0x5], $0x3200, $0x38;
	[tilespmem:$0x1D400] =	vst v63  }
0x26: {  	_ =	swait.ge [sflag:s21], $0x3200  }
0x27: {  	[sflag:s21] =	ssyncset.done $0x0  }
0x28: {  	s0 =	rddreg [dreg:$0x4];
	[sflag:s21] =	ssyncadd.s32 $0xFFFFCE00  }
0x29: {  	[spmem:s0] =	stream.linear.scatter [tilespmem:s20], [sflag:$0x5], $0x3200, $0x38;
	[tilespmem:$0x1D400] =	vst v63  }
0x2a: {  	_ =	swait.ge [sflag:s21], $0x3200  }
0x2b: {  	[sflag:s21] =	ssyncset.done $0x0  }
0x2c: {  	[sflag:s21] =	ssyncadd.s32 $0xFFFFCE00  }
0x2d: {  	[spmem:s7] =	stream.linear.scatter [tilespmem:s20], [sflag:$0x5], $0x3200, $0x38;
	[tilespmem:$0x1D400] =	vst v63  }
0x2e: {  	_ =	swait.ge [sflag:s21], $0x3200  }
0x2f: {  	[sflag:s21] =	ssyncset.done $0x0  }
0x30: {  	[sflag:s21] =	ssyncadd.s32 $0xFFFFCE00  }
0x31: {  	[spmem:s8] =	stream.linear.scatter [tilespmem:s20], [sflag:$0x5], $0x3200, $0x38;
	[tilespmem:$0x1D400] =	vst v63  }
0x32: {  	_ =	swait.ge [sflag:s21], $0x3200  }
0x33: {  	[sflag:s21] =	ssyncset.done $0x0  }
0x34: {  	[sflag:s21] =	ssyncadd.s32 $0xFFFFCE00  }
0x35: {  	[spmem:s9] =	stream.linear.scatter [tilespmem:s20], [sflag:$0x5], $0x3200, $0x38;
	[tilespmem:$0x1D400] =	vst v63  }
0x36: {  	_ =	swait.ge [sflag:s21], $0x3200  }
0x37: {  	[sflag:s21] =	ssyncset.done $0x0  }
0x38: {  	[sflag:s21] =	ssyncadd.s32 $0xFFFFCE00  }
0x39: {  	[spmem:s10] =	stream.linear.scatter [tilespmem:s20], [sflag:$0x5], $0x3200, $0x38;
	[tilespmem:$0x1D400] =	vst v63  }
0x3a: {  	_ =	swait.ge [sflag:s21], $0x3200  }
0x3b: {  	[sflag:s21] =	ssyncset.done $0x0  }
0x3c: {  	[sflag:s21] =	ssyncadd.s32 $0xFFFFCE00  }
0x3d: {  	[spmem:s11] =	stream.linear.scatter [tilespmem:s20], [sflag:$0x5], $0x1000, $0x38;
	[tilespmem:$0x1D400] =	vst v63  }
0x3e: {  	_ =	swait.ge [sflag:s21], $0x1000  }
0x3f: {  	[sflag:s21] =	ssyncset.done $0x0  }
0x40: {  	[sflag:s21] =	ssyncadd.s32 $0xFFFFF000  }
0x41: {  	s31 =	simm.s32 $0x0;
	[bflag:$0x0] =	sbarrier.arrive $0xFFFF  }
0x42: {  	[tilespmem:s31], [sflag:$0x5] =	stream.linear.gather [hbm4b:s12+s31], $0xA00, $0x38;
	[tilespmem:$0x1D400] =	vst v63  }
0x43: {  	_ =	swait.ge [sflag:s21], $0xA00  }
0x44: {  	[sflag:s21] =	ssyncset.done $0x0  }
0x45: {  	s19 =	simm.s32 $0x1800;
	[sflag:s21] =	ssyncadd.s32 $0xFFFFF600  }
0x46: {  	[tilespmem:s19], [sflag:$0x5] =	stream.linear.gather [hbm4b:s13+s31], $0xA00, $0x38;
	[tilespmem:$0x1D400] =	vst v63  }
0x47: {  	_ =	swait.ge [sflag:s21], $0xA00  }
0x48: {  	[sflag:s21] =	ssyncset.done $0x0  }
0x49: {  	s23 =	simm.s32 $0xC00;
	[sflag:s21] =	ssyncadd.s32 $0xFFFFF600  }
0x4a: {  	[tilespmem:s23], [sflag:$0x3] =	stream.linear.gather [hbm4b:s14+s31], $0xA00, $0x38;
	[tilespmem:$0x1D400] =	vst v63  }
0x4b: {  	s24 =	simm.s32 $0x2400  }
0x4c: {  	[tilespmem:s24], [sflag:$0x4] =	stream.linear.gather [hbm4b:s15+s31], $0xA00, $0x38;
	[tilespmem:$0x1D400] =	vst v63  }
0x4d: {  	_ = 	snop  }
0x4e: {  	[tilespmem:s20], [sflag:$0x1] =	stream.indirect.gather [hbm4b:s4+s25], $0x80, s31, s25, $0xb8;
	[tilespmem:$0x1D400] =	vst v63  }
0x4f: {  	s26 =	simm.s32 $0x80;
	s18 =	smov.u32 s22;
	s19 =	smov.u32 s1  }
0x50: {  	[tilespmem:s28], [sflag:$0x2] =	stream.indirect.gather [hbm4b:s4+s25], $0x80, s26, s25, $0xb8;
	[tilespmem:$0x1D400] =	vst v63  }
.LBB2_4:
0x51: {  	s26 =	sand.u32 $0x1, s31  }
0x52: {  	_ =	swait.ge [sflag:s29], $0x3200;
	s23 =	smul.u32 $0xC00, s26  }
0x53: {  	[sflag:s29] =	ssyncset.done $0x0  }
0x54: {  	[sflag:s29] =	ssyncadd.s32 $0xFFFFCE00;
	s24 =	sadd.s32 $0x1800, s23  }
0x55: {  	[spmem:s2] =	stream.indirect.scatter.add.f32 [tilespmem:s20], [sflag:$0x5], $0x80, s24, s25, $0xb8;
	[tilespmem:$0x1D400] =	vst v63  }
0x56: {  	_ =	swait.ge [sflag:s21], $0x3200  }
0x57: {  	[sflag:s21] =	ssyncset.done $0x0  }
0x58: {  	s0 =	sor.u32 $0x100, s23;
	[sflag:s21] =	ssyncadd.s32 $0xFFFFCE00  }
0x59: {  	[tilespmem:s20], [sflag:$0x1] =	stream.indirect.gather [hbm4b:s4+s25], $0x80, s0, s25, $0xb8;
	[tilespmem:$0x1D400] =	vst v63  }
0x5a: {  	_ =	swait.ge [sflag:s30], $0x3200  }
0x5b: {  	[sflag:s30] =	ssyncset.done $0x0  }
0x5c: {  	s6 =	sadd.s32 $0x1880, s23;
	[sflag:s30] =	ssyncadd.s32 $0xFFFFCE00  }
0x5d: {  	[spmem:s2] =	stream.indirect.scatter.add.f32 [tilespmem:s28], [sflag:$0x5], $0x80, s6, s25, $0xb8;
	[tilespmem:$0x1D400] =	vst v63  }
0x5e: {  	_ =	swait.ge [sflag:s21], $0x3200  }
0x5f: {  	[sflag:s21] =	ssyncset.done $0x0  }
0x60: {  	s6 =	sor.u32 $0x180, s23;
	[sflag:s21] =	ssyncadd.s32 $0xFFFFCE00  }
0x61: {  	[tilespmem:s28], [sflag:$0x2] =	stream.indirect.gather [hbm4b:s4+s25], $0x80, s6, s25, $0xb8;
	[tilespmem:$0x1D400] =	vst v63  }
0x62: {  	_ =	swait.ge [sflag:s29], $0x3200  }
0x63: {  	[sflag:s29] =	ssyncset.done $0x0  }
0x64: {  	s6 =	sadd.s32 $0x1900, s23;
	[sflag:s29] =	ssyncadd.s32 $0xFFFFCE00  }
0x65: {  	[spmem:s2] =	stream.indirect.scatter.add.f32 [tilespmem:s20], [sflag:$0x5], $0x80, s6, s25, $0xb8;
	[tilespmem:$0x1D400] =	vst v63  }
0x66: {  	_ =	swait.ge [sflag:s21], $0x3200  }
0x67: {  	[sflag:s21] =	ssyncset.done $0x0  }
0x68: {  	s6 =	sor.u32 $0x200, s23;
	[sflag:s21] =	ssyncadd.s32 $0xFFFFCE00  }
0x69: {  	[tilespmem:s20], [sflag:$0x1] =	stream.indirect.gather [hbm4b:s4+s25], $0x80, s6, s25, $0xb8;
	[tilespmem:$0x1D400] =	vst v63  }
0x6a: {  	_ =	swait.ge [sflag:s30], $0x3200  }
0x6b: {  	[sflag:s30] =	ssyncset.done $0x0  }
0x6c: {  	s6 =	sadd.s32 $0x1980, s23;
	[sflag:s30] =	ssyncadd.s32 $0xFFFFCE00  }
0x6d: {  	[spmem:s2] =	stream.indirect.scatter.add.f32 [tilespmem:s28], [sflag:$0x5], $0x80, s6, s25, $0xb8;
	[tilespmem:$0x1D400] =	vst v63  }
0x6e: {  	_ =	swait.ge [sflag:s21], $0x3200  }
0x6f: {  	[sflag:s21] =	ssyncset.done $0x0  }
0x70: {  	s6 =	sor.u32 $0x280, s23;
	[sflag:s21] =	ssyncadd.s32 $0xFFFFCE00  }
0x71: {  	[tilespmem:s28], [sflag:$0x2] =	stream.indirect.gather [hbm4b:s4+s25], $0x80, s6, s25, $0xb8;
	[tilespmem:$0x1D400] =	vst v63  }
0x72: {  	_ =	swait.ge [sflag:s29], $0x3200  }
0x73: {  	[sflag:s29] =	ssyncset.done $0x0  }
0x74: {  	s6 =	sadd.s32 $0x1A00, s23;
	[sflag:s29] =	ssyncadd.s32 $0xFFFFCE00  }
0x75: {  	[spmem:s2] =	stream.indirect.scatter.add.f32 [tilespmem:s20], [sflag:$0x5], $0x80, s6, s25, $0xb8;
	[tilespmem:$0x1D400] =	vst v63  }
0x76: {  	_ =	swait.ge [sflag:s21], $0x3200  }
0x77: {  	[sflag:s21] =	ssyncset.done $0x0  }
0x78: {  	s6 =	sor.u32 $0x300, s23;
	[sflag:s21] =	ssyncadd.s32 $0xFFFFCE00  }
0x79: {  	[tilespmem:s20], [sflag:$0x1] =	stream.indirect.gather [hbm4b:s4+s25], $0x80, s6, s25, $0xb8;
	[tilespmem:$0x1D400] =	vst v63  }
0x7a: {  	_ =	swait.ge [sflag:s30], $0x3200  }
0x7b: {  	[sflag:s30] =	ssyncset.done $0x0  }
0x7c: {  	s6 =	sadd.s32 $0x1A80, s23;
	[sflag:s30] =	ssyncadd.s32 $0xFFFFCE00  }
0x7d: {  	[spmem:s2] =	stream.indirect.scatter.add.f32 [tilespmem:s28], [sflag:$0x5], $0x80, s6, s25, $0xb8;
	[tilespmem:$0x1D400] =	vst v63  }
0x7e: {  	_ =	swait.ge [sflag:s21], $0x3200  }
0x7f: {  	[sflag:s21] =	ssyncset.done $0x0  }
0x80: {  	s6 =	sor.u32 $0x380, s23;
	[sflag:s21] =	ssyncadd.s32 $0xFFFFCE00  }
0x81: {  	[tilespmem:s28], [sflag:$0x2] =	stream.indirect.gather [hbm4b:s4+s25], $0x80, s6, s25, $0xb8;
	[tilespmem:$0x1D400] =	vst v63  }
0x82: {  	_ =	swait.ge [sflag:s29], $0x3200  }
0x83: {  	[sflag:s29] =	ssyncset.done $0x0  }
0x84: {  	s6 =	sadd.s32 $0x1B00, s23;
	[sflag:s29] =	ssyncadd.s32 $0xFFFFCE00  }
0x85: {  	[spmem:s2] =	stream.indirect.scatter.add.f32 [tilespmem:s20], [sflag:$0x5], $0x80, s6, s25, $0xb8;
	[tilespmem:$0x1D400] =	vst v63  }
0x86: {  	_ =	swait.ge [sflag:s21], $0x3200  }
0x87: {  	[sflag:s21] =	ssyncset.done $0x0  }
0x88: {  	s6 =	sadd.s32 $0x400, s23;
	[sflag:s21] =	ssyncadd.s32 $0xFFFFCE00  }
0x89: {  	[tilespmem:s20], [sflag:$0x1] =	stream.indirect.gather [hbm4b:s4+s25], $0x80, s6, s25, $0xb8;
	[tilespmem:$0x1D400] =	vst v63  }
0x8a: {  	_ =	swait.ge [sflag:s30], $0x3200  }
0x8b: {  	[sflag:s30] =	ssyncset.done $0x0  }
0x8c: {  	s6 =	sadd.s32 $0x1B80, s23;
	[sflag:s30] =	ssyncadd.s32 $0xFFFFCE00  }
0x8d: {  	[spmem:s2] =	stream.indirect.scatter.add.f32 [tilespmem:s28], [sflag:$0x5], $0x80, s6, s25, $0xb8;
	[tilespmem:$0x1D400] =	vst v63  }
0x8e: {  	_ =	swait.ge [sflag:s21], $0x3200  }
0x8f: {  	[sflag:s21] =	ssyncset.done $0x0  }
0x90: {  	s6 =	sadd.s32 $0x480, s23;
	[sflag:s21] =	ssyncadd.s32 $0xFFFFCE00  }
0x91: {  	[tilespmem:s28], [sflag:$0x2] =	stream.indirect.gather [hbm4b:s4+s25], $0x80, s6, s25, $0xb8;
	[tilespmem:$0x1D400] =	vst v63  }
0x92: {  	_ =	swait.ge [sflag:s29], $0x3200  }
0x93: {  	[sflag:s29] =	ssyncset.done $0x0  }
0x94: {  	s6 =	sadd.s32 $0x1C00, s23;
	[sflag:s29] =	ssyncadd.s32 $0xFFFFCE00  }
0x95: {  	[spmem:s2] =	stream.indirect.scatter.add.f32 [tilespmem:s20], [sflag:$0x5], $0x80, s6, s25, $0xb8;
	[tilespmem:$0x1D400] =	vst v63  }
0x96: {  	_ =	swait.ge [sflag:s21], $0x3200  }
0x97: {  	[sflag:s21] =	ssyncset.done $0x0  }
0x98: {  	s6 =	sadd.s32 $0x500, s23;
	[sflag:s21] =	ssyncadd.s32 $0xFFFFCE00  }
0x99: {  	[tilespmem:s20], [sflag:$0x1] =	stream.indirect.gather [hbm4b:s4+s25], $0x80, s6, s25, $0xb8;
	[tilespmem:$0x1D400] =	vst v63  }
0x9a: {  	_ =	swait.ge [sflag:s30], $0x3200  }
0x9b: {  	[sflag:s30] =	ssyncset.done $0x0  }
0x9c: {  	s6 =	sadd.s32 $0x1C80, s23;
	[sflag:s30] =	ssyncadd.s32 $0xFFFFCE00  }
0x9d: {  	[spmem:s2] =	stream.indirect.scatter.add.f32 [tilespmem:s28], [sflag:$0x5], $0x80, s6, s25, $0xb8;
	[tilespmem:$0x1D400] =	vst v63  }
0x9e: {  	_ =	swait.ge [sflag:s21], $0x3200  }
0x9f: {  	[sflag:s21] =	ssyncset.done $0x0  }
0xa0: {  	s6 =	sadd.s32 $0x580, s23;
	[sflag:s21] =	ssyncadd.s32 $0xFFFFCE00  }
0xa1: {  	[tilespmem:s28], [sflag:$0x2] =	stream.indirect.gather [hbm4b:s4+s25], $0x80, s6, s25, $0xb8;
	[tilespmem:$0x1D400] =	vst v63  }
0xa2: {  	_ =	swait.ge [sflag:s29], $0x3200  }
0xa3: {  	[sflag:s29] =	ssyncset.done $0x0  }
0xa4: {  	s6 =	sadd.s32 $0x1D00, s23;
	[sflag:s29] =	ssyncadd.s32 $0xFFFFCE00  }
0xa5: {  	[spmem:s2] =	stream.indirect.scatter.add.f32 [tilespmem:s20], [sflag:$0x5], $0x80, s6, s25, $0xb8;
	[tilespmem:$0x1D400] =	vst v63  }
0xa6: {  	_ =	swait.ge [sflag:s21], $0x3200  }
0xa7: {  	[sflag:s21] =	ssyncset.done $0x0  }
0xa8: {  	s6 =	sadd.s32 $0x600, s23;
	[sflag:s21] =	ssyncadd.s32 $0xFFFFCE00  }
0xa9: {  	[tilespmem:s20], [sflag:$0x1] =	stream.indirect.gather [hbm4b:s4+s25], $0x80, s6, s25, $0xb8;
	[tilespmem:$0x1D400] =	vst v63  }
0xaa: {  	_ =	swait.ge [sflag:s30], $0x3200  }
0xab: {  	[sflag:s30] =	ssyncset.done $0x0  }
0xac: {  	s6 =	sadd.s32 $0x1D80, s23;
	[sflag:s30] =	ssyncadd.s32 $0xFFFFCE00  }
0xad: {  	[spmem:s2] =	stream.indirect.scatter.add.f32 [tilespmem:s28], [sflag:$0x5], $0x80, s6, s25, $0xb8;
	[tilespmem:$0x1D400] =	vst v63  }
0xae: {  	_ =	swait.ge [sflag:s21], $0x3200  }
0xaf: {  	[sflag:s21] =	ssyncset.done $0x0  }
0xb0: {  	s6 =	sadd.s32 $0x680, s23;
	[sflag:s21] =	ssyncadd.s32 $0xFFFFCE00  }
0xb1: {  	[tilespmem:s28], [sflag:$0x2] =	stream.indirect.gather [hbm4b:s4+s25], $0x80, s6, s25, $0xb8;
	[tilespmem:$0x1D400] =	vst v63  }
0xb2: {  	_ =	swait.ge [sflag:s29], $0x3200  }
0xb3: {  	[sflag:s29] =	ssyncset.done $0x0  }
0xb4: {  	s6 =	sadd.s32 $0x1E00, s23;
	[sflag:s29] =	ssyncadd.s32 $0xFFFFCE00  }
0xb5: {  	[spmem:s2] =	stream.indirect.scatter.add.f32 [tilespmem:s20], [sflag:$0x5], $0x80, s6, s25, $0xb8;
	[tilespmem:$0x1D400] =	vst v63  }
0xb6: {  	_ =	swait.ge [sflag:s21], $0x3200  }
0xb7: {  	[sflag:s21] =	ssyncset.done $0x0  }
0xb8: {  	s6 =	sadd.s32 $0x700, s23;
	[sflag:s21] =	ssyncadd.s32 $0xFFFFCE00  }
0xb9: {  	[tilespmem:s20], [sflag:$0x1] =	stream.indirect.gather [hbm4b:s4+s25], $0x80, s6, s25, $0xb8;
	[tilespmem:$0x1D400] =	vst v63  }
0xba: {  	_ =	swait.ge [sflag:s30], $0x3200  }
0xbb: {  	[sflag:s30] =	ssyncset.done $0x0  }
0xbc: {  	s6 =	sadd.s32 $0x1E80, s23;
	[sflag:s30] =	ssyncadd.s32 $0xFFFFCE00  }
0xbd: {  	[spmem:s2] =	stream.indirect.scatter.add.f32 [tilespmem:s28], [sflag:$0x5], $0x80, s6, s25, $0xb8;
	[tilespmem:$0x1D400] =	vst v63  }
0xbe: {  	_ =	swait.ge [sflag:s21], $0x3200  }
0xbf: {  	[sflag:s21] =	ssyncset.done $0x0  }
0xc0: {  	s6 =	sadd.s32 $0x780, s23;
	[sflag:s21] =	ssyncadd.s32 $0xFFFFCE00  }
0xc1: {  	[tilespmem:s28], [sflag:$0x2] =	stream.indirect.gather [hbm4b:s4+s25], $0x80, s6, s25, $0xb8;
	[tilespmem:$0x1D400] =	vst v63  }
0xc2: {  	_ =	swait.ge [sflag:s29], $0x3200  }
0xc3: {  	[sflag:s29] =	ssyncset.done $0x0  }
0xc4: {  	s6 =	sadd.s32 $0x1F00, s23;
	[sflag:s29] =	ssyncadd.s32 $0xFFFFCE00  }
0xc5: {  	[spmem:s2] =	stream.indirect.scatter.add.f32 [tilespmem:s20], [sflag:$0x5], $0x80, s6, s25, $0xb8;
	[tilespmem:$0x1D400] =	vst v63  }
0xc6: {  	_ =	swait.ge [sflag:s21], $0x3200  }
0xc7: {  	[sflag:s21] =	ssyncset.done $0x0  }
0xc8: {  	s6 =	sadd.s32 $0x800, s23;
	[sflag:s21] =	ssyncadd.s32 $0xFFFFCE00  }
0xc9: {  	[tilespmem:s20], [sflag:$0x1] =	stream.indirect.gather [hbm4b:s4+s25], $0x80, s6, s25, $0xb8;
	[tilespmem:$0x1D400] =	vst v63  }
0xca: {  	_ =	swait.ge [sflag:s30], $0x3200  }
0xcb: {  	[sflag:s30] =	ssyncset.done $0x0  }
0xcc: {  	s6 =	sadd.s32 $0x1F80, s23;
	[sflag:s30] =	ssyncadd.s32 $0xFFFFCE00  }
0xcd: {  	[spmem:s2] =	stream.indirect.scatter.add.f32 [tilespmem:s28], [sflag:$0x5], $0x80, s6, s25, $0xb8;
	[tilespmem:$0x1D400] =	vst v63  }
0xce: {  	_ =	swait.ge [sflag:s21], $0x3200  }
0xcf: {  	[sflag:s21] =	ssyncset.done $0x0  }
0xd0: {  	s6 =	sadd.s32 $0x880, s23;
	[sflag:s21] =	ssyncadd.s32 $0xFFFFCE00  }
0xd1: {  	[tilespmem:s28], [sflag:$0x2] =	stream.indirect.gather [hbm4b:s4+s25], $0x80, s6, s25, $0xb8;
	[tilespmem:$0x1D400] =	vst v63  }
0xd2: {  	_ =	swait.ge [sflag:s29], $0x3200  }
0xd3: {  	[sflag:s29] =	ssyncset.done $0x0  }
0xd4: {  	s6 =	sor.u32 $0x2000, s23;
	[sflag:s29] =	ssyncadd.s32 $0xFFFFCE00  }
0xd5: {  	[spmem:s2] =	stream.indirect.scatter.add.f32 [tilespmem:s20], [sflag:$0x5], $0x80, s6, s25, $0xb8;
	[tilespmem:$0x1D400] =	vst v63  }
0xd6: {  	_ =	swait.ge [sflag:s21], $0x3200  }
0xd7: {  	[sflag:s21] =	ssyncset.done $0x0  }
0xd8: {  	s6 =	sadd.s32 $0x900, s23;
	[sflag:s21] =	ssyncadd.s32 $0xFFFFCE00  }
0xd9: {  	[tilespmem:s20], [sflag:$0x1] =	stream.indirect.gather [hbm4b:s4+s25], $0x80, s6, s25, $0xb8;
	[tilespmem:$0x1D400] =	vst v63  }
0xda: {  	_ =	swait.ge [sflag:s30], $0x3200  }
0xdb: {  	[sflag:s30] =	ssyncset.done $0x0  }
0xdc: {  	s6 =	sor.u32 $0x2080, s23;
	[sflag:s30] =	ssyncadd.s32 $0xFFFFCE00  }
0xdd: {  	[spmem:s2] =	stream.indirect.scatter.add.f32 [tilespmem:s28], [sflag:$0x5], $0x80, s6, s25, $0xb8;
	[tilespmem:$0x1D400] =	vst v63  }
0xde: {  	_ =	swait.ge [sflag:s21], $0x3200  }
0xdf: {  	[sflag:s21] =	ssyncset.done $0x0  }
0xe0: {  	s6 =	sadd.s32 $0x980, s23;
	[sflag:s21] =	ssyncadd.s32 $0xFFFFCE00  }
0xe1: {  	[tilespmem:s28], [sflag:$0x2] =	stream.indirect.gather [hbm4b:s4+s25], $0x80, s6, s25, $0xb8;
	[tilespmem:$0x1D400] =	vst v63  }
0xe2: {  	_ =	swait.ge [sflag:s29], $0x3200  }
0xe3: {  	[sflag:s29] =	ssyncset.done $0x0  }
0xe4: {  	s6 =	sor.u32 $0x2100, s23;
	[sflag:s29] =	ssyncadd.s32 $0xFFFFCE00  }
0xe5: {  	[spmem:s2] =	stream.indirect.scatter.add.f32 [tilespmem:s20], [sflag:$0x5], $0x80, s6, s25, $0xb8;
	[tilespmem:$0x1D400] =	vst v63  }
0xe6: {  	_ =	swait.ge [sflag:s21], $0x3200  }
0xe7: {  	[sflag:s21] =	ssyncset.done $0x0  }
0xe8: {  	[sflag:s21] =	ssyncadd.s32 $0xFFFFCE00  }
0xe9: {  	_ =	swait.ge [sflag:s30], $0x3200  }
0xea: {  	[sflag:s30] =	ssyncset.done $0x0  }
0xeb: {  	s6 =	sor.u32 $0x2180, s23;
	[sflag:s30] =	ssyncadd.s32 $0xFFFFCE00  }
0xec: {  	[spmem:s2] =	stream.indirect.scatter.add.f32 [tilespmem:s28], [sflag:$0x5], $0x80, s6, s25, $0xb8;
	[tilespmem:$0x1D400] =	vst v63  }
0xed: {  	_ =	swait.ge [sflag:s21], $0x3200  }
0xee: {  	p0 =	seq.s32 s31, $0x4;
	[sflag:s21] =	ssyncset.done $0x0  }
0xef: {  	s0 =	simm.s32 @!p0 $0x3;
	[sflag:s21] =	ssyncadd.s32 $0xFFFFCE00  }
0xf0: {  	_ =	swait.ge @!p0 [sflag:s0], $0xA00  }
0xf1: {  	[sflag:s0] =	ssyncset.done @!p0 $0x0  }
0xf2: {  	s26 =	sxor.u32 @!p0 $0x1, s26;
	[sflag:s0] =	ssyncadd.s32 @!p0 $0xFFFFF600;
	s0 =	simm.s32 @!p0 $0x4  }
0xf3: {  	s26 =	smul.u32 @!p0 $0x3000, s26;
	_ =	swait.ge @!p0 [sflag:s0], $0xA00  }
0xf4: {  	p1 =	sgt.u32 @!p0 s31, $0x2;
	s6 =	simm.s32 @!p0 $0x3000;
	[sflag:s0] =	ssyncset.done @!p0 $0x0  }
0xf5: {  	[sflag:s0] =	ssyncadd.s32 @!p0 $0xFFFFF600;
	s0 =	sshrl.u32 @!p0 s26, $0x2;
	s26 =	simm.s32 @!p0 $0x64  }
0xf6: {  	[tilespmem:s6], [sflag:$0x1] =	stream.indirect.gather @!p0 [hbm4b:s4+s26], $0x80, s0, s26, $0xb8;
	[tilespmem:$0x1D400] =	vst v63  }
0xf7: {  	p1 =	por p1, p0;
	s0 =	sor.u32 @!p0 $0x80, s0;
	s6 =	simm.s32 @!p0 $0x6400  }
0xf8: {  	[tilespmem:s6], [sflag:$0x2] =	stream.indirect.gather @!p0 [hbm4b:s4+s26], $0x80, s0, s26, $0xb8;
	[tilespmem:$0x1D400] =	vst v63  }
0xf9: {  	s0 =	simm.s32 @!p1 $0x0  }
0xfa: {  	[tilespmem:s23], [sflag:$0x3] =	stream.linear.gather @!p1 [hbm4b:s19+s0], $0xA00, $0x38;
	[tilespmem:$0x1D400] =	vst v63  }
0xfb: {  	s31 =	sadd.s32 $0x1, s31  }
0xfc: {  	[tilespmem:s24], [sflag:$0x4] =	stream.linear.gather @!p1 [hbm4b:s18+s0], $0xA00, $0x38;
	[tilespmem:$0x1D400] =	vst v63  }
0xfd: {  	p1 =	sne.s32 @!p0 s31, $0x5  }
0xfe: {  	p1 =	por p0, !p1  }
.Ltmp1:
0xff: {  	_ = 	snop;
	(pc) =	sbr.rel @!p1 .LBB2_4-.Ltmp1, $2  }
0x100: {  	_ =	sdelay $0x2  }
0x101: {  	s19 =	sadd.s32 @!p0 $0x180, s19;
	s18 =	sadd.s32 @!p0 $0x180, s18  }
0x102: {  	s0 =	stileid.u32;
	s3 =	sadd.s32 $0x1, s3  }
0x103: {  	[bflag:$0x0] =	sbarrier.arrive $0xFFFF;
	s0 =	sshll.u32 s0, $0x6;
	p0 =	sne.s32 s3, s17  }
.Ltmp2:
0x104: {  	s6 =	sshrl.u32 s5, $0x3;
	s0 =	sor.u32 $0x1C05, s0;
	(pc) =	sbr.rel @p0 .LBB2_1-.Ltmp2, $4  }
0x105: {  	[hbm:s16], [sflag:s0] =	dma.local [spmem:s6], $0x2780  }
0x106: {  	_ =	swait.ge [sflag:s21], $0x2780  }
0x107: {  	[sflag:s21] =	ssyncset.done $0x0  }
0x108: {  	[sflag:s21] =	ssyncadd.s32 $0xFFFFD880  }
0x109: {  	_ =	sfence.sel $0x180000  }
0x10a: {  	[bflag:$0x0] =	sbarrier.arrive $0xFFFF  }
0x10b: {  	_ =	strace $0x90000047  }
0x10c: {  	s0 =	stileid.u32;
	[bflag:$0x2] =	sbarrier.arrive $0xFFFF  }
0x10d: {  	p0 =	sne.s32 s0, $0x0;
	s0 =	rddreg [dreg:$0x3]  }
0x10e: {  	s0 =	sadd.s32 @!p0 $0x100000, s0  }
0x10f: {  	[sflag:s0] =	ssyncadd.tile.s32 @!p0 $0x1;
	_ =	shalt  }
.Lfunc_end2:
_tile_overlayer_lowered:
.L_overlay_start_2:
0x110: {  	(tag) =	ssettag $0x2  }
0x111: {  	s0 =	rddreg [dreg:$0x0];
	s2 =	stileid.u32  }
0x112: {  	s1 =	rddreg [dreg:$0x1];
	p0 =	sne.s32 s2, $0x0  }
0x113: {  	s3 =	rddreg [dreg:$0x2];
	[bflag:$0x3] =	sbarrier.arrive $0xFFFF;
	s2 =	simm.s32 @!p0 $0x1C05  }
0x114: {  	[timem:s3], [sflag:s2] =	dma.local @!p0 [hbm:s0], s1  }
0x115: {  	s0 =	simm.s32 @!p0 $0x5  }
0x116: {  	_ =	swait.ge @!p0 [sflag:s0], s1  }
0x117: {  	s1 =	ssub.s32 @!p0 $0x0, s1;
	[sflag:s0] =	ssyncset.done @!p0 $0x0  }
0x118: {  	[sflag:s0] =	ssyncadd.s32 @!p0 s1  }
0x119: {  	[bflag:$0x3] =	sbarrier.arrive $0xFFFF  }
0x11a: {  	_ =	shalt  }

</sc_bundles>
